<compile_context>
chip_gen: v7x
topology: tpu7x:2x2x1
jax: 0.10.2.dev20260603
libtpu: 0.0.44.dev20260713+nightly
codegen_flags: <defaults>
</compile_context>

<pallas_src>
import functools
import math

import jax
import jax.numpy as jnp
from jax import lax
from jax.experimental import pallas as pl
from jax.experimental.pallas import tpu as pltpu
from jax.experimental.pallas import tpu_sc as plsc

N = 10000
E = 320000
D = 128
DH = D // 2

NC = 2
NS = 16
NW = NC * NS

L = 16

CH = 125
CN = (E // CH) // NS
EW = E // NW
ROWS_PER_TILE = N // NS
WB = ROWS_PER_TILE // CH


def _make_sc_kernel():
    mesh = plsc.VectorSubcoreMesh(core_axis_name="c", subcore_axis_name="s")

    @functools.partial(
        pl.kernel,
        out_type=[
            jax.ShapeDtypeStruct((NC, N, DH), jnp.float32),
            jax.ShapeDtypeStruct((NW, N), jnp.float32),
        ],
        mesh=mesh,
        compiler_params=pltpu.CompilerParams(use_tc_tiling_on_sc=False,
                                             needs_layout_passes=False),
        scratch_types=[
            pltpu.VMEM((CN, CH), jnp.int32),
            pltpu.VMEM((CN, CH), jnp.int32),
            pltpu.VMEM((EW,), jnp.int32),
            pltpu.VMEM((2, CH, DH), jnp.float32),
            pltpu.VMEM((N,), jnp.float32),
            pltpu.VMEM_SHARED((N, DH), jnp.float32),
            pltpu.SemaphoreType.DMA,
            pltpu.SemaphoreType.DMA,
            pltpu.SemaphoreType.DMA,
            pltpu.SemaphoreType.DMA,
            pltpu.SemaphoreType.DMA,
            pltpu.SemaphoreType.DMA,
            pltpu.SemaphoreType.DMA,
            pltpu.SemaphoreType.DMA,
            pltpu.SemaphoreType.DMA,
        ],
    )
    def sc_kernel(x2_hbm, srce2d, srco2d, dst2d, dst1d, agg_out, deg_out,
                  src_v, dst_v, dstf_v, rows_v, deg_v, agg_sh,
                  g0, g1, g2, g3, s0, s1, s2, s3, stsem):
        cid = lax.axis_index("c")
        sid = lax.axis_index("s")
        w = cid * NS + sid
        base = sid * CN
        rbase = sid * ROWS_PER_TILE
        zvec = jnp.zeros((L,), jnp.float32)
        ovec = jnp.ones((L,), jnp.float32)
        gsems = [g0, g1, g2, g3]
        ssems = [s0, s1, s2, s3]

        @pl.when(cid == 0)
        def _():
            pltpu.async_copy(srce2d.at[pl.ds(base, CN)], src_v, stsem)

        @pl.when(cid == 1)
        def _():
            pltpu.async_copy(srco2d.at[pl.ds(base, CN)], src_v, stsem)

        pltpu.async_copy(dst2d.at[pl.ds(base, CN)], dst_v, s2)
        pltpu.async_copy(dst1d.at[pl.ds(w * EW, EW)], dstf_v, s3)

        def fill_rows(i, _):
            for k in range(DH // L):
                rows_v[0, i, pl.ds(k * L, L)] = zvec
            return 0
        lax.fori_loop(0, CH, fill_rows, 0)

        def fill_deg(i, _):
            deg_v[pl.ds(i * L, L)] = zvec
            return 0
        lax.fori_loop(0, N // L, fill_deg, 0)

        for t in range(WB):
            pltpu.sync_copy(rows_v.at[0],
                            agg_sh.at[pl.ds(rbase + t * CH, CH)])
        pltpu.make_async_copy(srce2d.at[pl.ds(base, CN)], src_v, stsem).wait()
        pltpu.make_async_copy(dst2d.at[pl.ds(base, CN)], dst_v, s2).wait()
        pltpu.make_async_copy(dst1d.at[pl.ds(w * EW, EW)], dstf_v, s3).wait()
        plsc.subcore_barrier()

        def gather(j, k):
            pltpu.async_copy(x2_hbm.at[src_v.at[j]], rows_v.at[k], gsems[k])

        def wait_gather(j, k):
            pltpu.make_async_copy(x2_hbm.at[src_v.at[j]], rows_v.at[k],
                                  gsems[k]).wait()

        def scatter(j, k):
            pltpu.async_copy(rows_v.at[k], agg_sh.at[dst_v.at[j]], ssems[k],
                             add=True)

        def wait_scatter(j, k):
            pltpu.make_async_copy(rows_v.at[k], agg_sh.at[dst_v.at[j]],
                                  ssems[k]).wait()

        def quad(t, _):
            for q in range(4):
                j = t * 4 + q
                k = q % 2
                wait_gather(j, k)
                scatter(j, k)
                wait_scatter(j, k)

                @pl.when(j + 2 < CN)
                def _():
                    gather(j + 2, k)
            return 0

        gather(0, 0)
        gather(1, 1)
        lax.fori_loop(0, CN // 4, quad, 0)

        def count(i, _):
            idx = dstf_v[pl.ds(i * L, L)]
            plsc.addupdate_scatter(deg_v, [idx], ovec)
            return 0
        lax.fori_loop(0, EW // L, count, 0)

        plsc.subcore_barrier()

        for t in range(WB):
            pltpu.sync_copy(agg_sh.at[pl.ds(rbase + t * CH, CH)],
                            agg_out.at[cid, pl.ds(rbase + t * CH, CH)])
        pltpu.sync_copy(deg_v, deg_out.at[w])

    return sc_kernel


_sc_kernel = _make_sc_kernel()


def _tc_body(agg_ref, deg_ref, x_ref, w_ref, b_ref, g_ref, bt_ref, out_ref):
    a = jnp.concatenate([agg_ref[0], agg_ref[1]], axis=1)
    dg = jnp.sum(deg_ref[...], axis=0)[:, None]
    dg = jnp.maximum(dg, 1.0)
    an = a / dg
    h = lax.dot_general(an, w_ref[...], (((1,), (0,)), ((), ())),
                        preferred_element_type=jnp.float32,
                        precision=lax.Precision.HIGHEST)
    o = h + b_ref[...] + x_ref[...]
    mu = jnp.mean(o, axis=1, keepdims=True)
    c = o - mu
    var = jnp.mean(c * c, axis=1, keepdims=True)
    y = c * lax.rsqrt(var + 1e-5) * g_ref[...] + bt_ref[...]
    out_ref[...] = 0.5 * y * (1.0 + lax.erf(y * (1.0 / math.sqrt(2.0))))


def _tc_tail(agg_p, deg_p, x, W, b, g, bt):
    return pl.pallas_call(
        _tc_body,
        out_shape=jax.ShapeDtypeStruct((N, D), jnp.float32),
    )(agg_p, deg_p, x, W, b, g, bt)


@jax.jit
def kernel(x, edge_index, W, b, ln_gamma, ln_beta):
    nchunk = E // CH
    src2 = edge_index[0] * 2
    src2d_even = src2.reshape(nchunk, CH)
    src2d_odd = (src2 + 1).reshape(nchunk, CH)
    dst2d = edge_index[1].reshape(nchunk, CH)
    x2 = x.reshape(2 * N, DH)
    agg_p, deg_p = _sc_kernel(x2, src2d_even, src2d_odd, dst2d,
                              edge_index[1])
    return _tc_tail(agg_p, deg_p, x, W,
                    b.reshape(1, D), ln_gamma.reshape(1, D),
                    ln_beta.reshape(1, D))

# --- scband reference (transcript-rebuilt; emitter-appended) ---
"""Pipeline reference for scband-gcnlayer-47974784696924 (READ-ONLY COPY).

The authoritative reference and input builder live on the scoring server;
editing this copy changes nothing except your own understanding.
"""

import jax, jax.numpy as jnp
import numpy as np

N = 10000
E = 320000
D = 128

def setup_inputs(seed: int = 0) -> dict:
    key = jax.random.key(seed)
    k1, k2, k3 = jax.random.split(key, 3)
    x = jax.random.normal(k1, (N, D), dtype=jnp.float32)
    edge_index = jax.random.randint(k2, (2, E), 0, N, dtype=jnp.int32)
    # GraphConv learned weight (glorot-ish) and bias
    W = jax.random.normal(k3, (D, D), dtype=jnp.float32) * (1.0 / np.sqrt(D))
    b = jnp.zeros((D,), dtype=jnp.float32)
    # LayerNorm params
    ln_gamma = jnp.ones((D,), dtype=jnp.float32)
    ln_beta = jnp.zeros((D,), dtype=jnp.float32)
    return {"x": x, "edge_index": edge_index, "W": W, "b": b, "ln_gamma": ln_gamma, "ln_beta": ln_beta}


def reference(x, edge_index, W, b, ln_gamma, ln_beta):
    # DGL GraphConv with norm='right', allow_zero_in_degree=True:
    #   aggregate src features onto dst (copy_u -> sum), divide by in-degree (clamped to >=1),
    #   then linear transform (in_feats == out_feats, so aggregate-then-matmul).
    src = edge_index[0]
    dst = edge_index[1]
    msg = jnp.take(x, src, axis=0)                                   # gather [E, D]
    agg = jax.ops.segment_sum(msg, dst, num_segments=N)              # scatter-add [N, D]
    deg = jax.ops.segment_sum(jnp.ones((E,), dtype=x.dtype), dst, num_segments=N)
    deg = jnp.maximum(deg, 1.0)                                      # clamp(min=1) for zero in-degree
    agg = agg / deg[:, None]                                         # right normalization
    h = agg @ W + b                                                  # GraphConv linear
    out = h + x                                                      # residual
    # LayerNorm (eps=1e-5)
    mean = jnp.mean(out, axis=-1, keepdims=True)
    var = jnp.var(out, axis=-1, keepdims=True)
    out = (out - mean) / jnp.sqrt(var + 1e-5) * ln_gamma + ln_beta
    # exact GELU (torch F.gelu default)
    out = jax.nn.gelu(out, approximate=False)
    return out

if __name__ == "__main__":
    import jax
    _d = setup_inputs()
    print(jax.jit(kernel)(*tuple(_d.values())))

</pallas_src>

<mosaic_0001>
#map = affine_map<(d0, d1) -> (0, 0)>
#map1 = affine_map<(d0, d1) -> (0)>
#map2 = affine_map<(d0, d1) -> (0, 0, 0)>
module attributes {stable_mosaic.version = 14 : i64} {
  func.func @sc_kernel(%arg0: i32, %arg1: i32, %arg2: memref<20000x64xf32, #tpu.memory_space<hbm>>, %arg3: memref<2560x125xi32, #tpu.memory_space<hbm>>, %arg4: memref<2560x125xi32, #tpu.memory_space<hbm>>, %arg5: memref<2560x125xi32, #tpu.memory_space<hbm>>, %arg6: memref<320000xi32, #tpu.memory_space<hbm>>, %arg7: memref<2x10000x64xf32, #tpu.memory_space<hbm>>, %arg8: memref<32x10000xf32, #tpu.memory_space<hbm>>, %arg9: memref<160x125xi32, #tpu.memory_space<vmem>>, %arg10: memref<160x125xi32, #tpu.memory_space<vmem>>, %arg11: memref<10000xi32, #tpu.memory_space<vmem>>, %arg12: memref<2x125x64xf32, #tpu.memory_space<vmem>>, %arg13: memref<10000xf32, #tpu.memory_space<vmem>>, %arg14: memref<10000x64xf32, #tpu.memory_space<vmem_shared>>, %arg15: memref<!tpu.dma_semaphore, #tpu.memory_space<semaphore_mem>>, %arg16: memref<!tpu.dma_semaphore, #tpu.memory_space<semaphore_mem>>, %arg17: memref<!tpu.dma_semaphore, #tpu.memory_space<semaphore_mem>>, %arg18: memref<!tpu.dma_semaphore, #tpu.memory_space<semaphore_mem>>, %arg19: memref<!tpu.dma_semaphore, #tpu.memory_space<semaphore_mem>>, %arg20: memref<!tpu.dma_semaphore, #tpu.memory_space<semaphore_mem>>, %arg21: memref<!tpu.dma_semaphore, #tpu.memory_space<semaphore_mem>>, %arg22: memref<!tpu.dma_semaphore, #tpu.memory_space<semaphore_mem>>, %arg23: memref<!tpu.dma_semaphore, #tpu.memory_space<semaphore_mem>>) attributes {dimension_semantics = [#tpu.dimension_semantics<core_parallel>, #tpu.dimension_semantics<subcore_parallel>], iteration_bounds = array<i64: 2, 16>, scalar_prefetch = 0 : i64, scratch_operands = 15 : i64, tpu.core_type = #tpu.core_type<sc_vector_subcore>, window_params = [{transform_indices = #map}, {transform_indices = #map}, {transform_indices = #map}, {transform_indices = #map}, {transform_indices = #map1}, {transform_indices = #map2}, {transform_indices = #map}]} {
    %mul3A = arith.constant 16 : i32
    %mul3A_0 = arith.muli %arg0, %mul3A : i32
    %add3A = arith.addi %mul3A_0, %arg1 : i32
    %mul3A_1 = arith.constant 160 : i32
    %mul3A_2 = arith.muli %arg1, %mul3A_1 : i32
    %mul3A_3 = arith.constant 625 : i32
    %mul3A_4 = arith.muli %arg1, %mul3A_3 : i32
    %broadcast_in_dim3A = arith.constant 0.000000e+00 : f32
    %broadcast_in_dim3A_5 = vector.broadcast %broadcast_in_dim3A : f32 to vector<16xf32>
    %broadcast_in_dim3A_6 = arith.constant 1.000000e+00 : f32
    %broadcast_in_dim3A_7 = vector.broadcast %broadcast_in_dim3A_6 : f32 to vector<16xf32>
    %eq3A = arith.constant 0 : i32
    %eq3A_8 = arith.cmpi eq, %arg0, %eq3A : i32
    %convert_element_type3A = arith.extui %eq3A_8 : i1 to i32
    %cond3A = arith.constant 0 : i32
    %cond3A_9 = arith.cmpi ne, %convert_element_type3A, %cond3A : i32
    scf.if %cond3A_9 {
      %dma_start3A_119 = arith.constant 0 : i32
      %dma_start3A_120 = tpu.memref_slice %arg3[%mul3A_2, %dma_start3A_119] : memref<2560x125xi32, #tpu.memory_space<hbm>> -> memref<160x125xi32, #tpu.memory_space<hbm>>
      %dma_start3A_121 = arith.constant 0 : i32
      %dma_start3A_122 = tpu.memref_slice %arg3[%mul3A_2, %dma_start3A_121] : memref<2560x125xi32, #tpu.memory_space<hbm>> -> memref<160x125xi32, #tpu.memory_space<hbm>>
      tpu.enqueue_dma source(%dma_start3A_122 : memref<160x125xi32, #tpu.memory_space<hbm>>) target(%arg9 : memref<160x125xi32, #tpu.memory_space<vmem>>) target_semaphore(%arg23 : memref<!tpu.dma_semaphore, #tpu.memory_space<semaphore_mem>>)
    } else {
    }
    %eq3A_10 = arith.constant 1 : i32
    %eq3A_11 = arith.cmpi eq, %arg0, %eq3A_10 : i32
    %convert_element_type3A_12 = arith.extui %eq3A_11 : i1 to i32
    %cond3A_13 = arith.constant 0 : i32
    %cond3A_14 = arith.cmpi ne, %convert_element_type3A_12, %cond3A_13 : i32
    scf.if %cond3A_14 {
      %dma_start3A_119 = arith.constant 0 : i32
      %dma_start3A_120 = tpu.memref_slice %arg4[%mul3A_2, %dma_start3A_119] : memref<2560x125xi32, #tpu.memory_space<hbm>> -> memref<160x125xi32, #tpu.memory_space<hbm>>
      %dma_start3A_121 = arith.constant 0 : i32
      %dma_start3A_122 = tpu.memref_slice %arg4[%mul3A_2, %dma_start3A_121] : memref<2560x125xi32, #tpu.memory_space<hbm>> -> memref<160x125xi32, #tpu.memory_space<hbm>>
      tpu.enqueue_dma source(%dma_start3A_122 : memref<160x125xi32, #tpu.memory_space<hbm>>) target(%arg9 : memref<160x125xi32, #tpu.memory_space<vmem>>) target_semaphore(%arg23 : memref<!tpu.dma_semaphore, #tpu.memory_space<semaphore_mem>>)
    } else {
    }
    %dma_start3A = arith.constant 0 : i32
    %dma_start3A_15 = tpu.memref_slice %arg5[%mul3A_2, %dma_start3A] : memref<2560x125xi32, #tpu.memory_space<hbm>> -> memref<160x125xi32, #tpu.memory_space<hbm>>
    %dma_start3A_16 = arith.constant 0 : i32
    %dma_start3A_17 = tpu.memref_slice %arg5[%mul3A_2, %dma_start3A_16] : memref<2560x125xi32, #tpu.memory_space<hbm>> -> memref<160x125xi32, #tpu.memory_space<hbm>>
    tpu.enqueue_dma source(%dma_start3A_17 : memref<160x125xi32, #tpu.memory_space<hbm>>) target(%arg10 : memref<160x125xi32, #tpu.memory_space<vmem>>) target_semaphore(%arg21 : memref<!tpu.dma_semaphore, #tpu.memory_space<semaphore_mem>>)
    %mul3A_18 = arith.constant 10000 : i32
    %mul3A_19 = arith.muli %add3A, %mul3A_18 : i32
    %dma_start3A_20 = tpu.memref_slice %arg6[%mul3A_19] : memref<320000xi32, #tpu.memory_space<hbm>> -> memref<10000xi32, #tpu.memory_space<hbm>>
    %dma_start3A_21 = tpu.memref_slice %arg6[%mul3A_19] : memref<320000xi32, #tpu.memory_space<hbm>> -> memref<10000xi32, #tpu.memory_space<hbm>>
    tpu.enqueue_dma source(%dma_start3A_21 : memref<10000xi32, #tpu.memory_space<hbm>>) target(%arg11 : memref<10000xi32, #tpu.memory_space<vmem>>) target_semaphore(%arg22 : memref<!tpu.dma_semaphore, #tpu.memory_space<semaphore_mem>>)
    %scan3A = arith.constant 0 : i32
    %scan3A_22 = arith.constant 0 : i32
    %scan3A_23 = arith.constant 125 : i32
    %scan3A_24 = arith.addi %scan3A_22, %scan3A_23 : i32
    %scan3A_25 = arith.constant 1 : i32
    %scan3A_26 = scf.for %scan3A_119 = %scan3A_22 to %scan3A_24 step %scan3A_25 iter_args(%scan3A_120 = %scan3A) -> (i32)  : i32 {
      %swap3A = arith.constant 0 : i32
      %swap3A_121 = arith.index_cast %swap3A : i32 to index
      %swap3A_122 = arith.index_cast %scan3A_119 : i32 to index
      %swap3A_123 = arith.constant 0 : index
      %swap3A_124 = tpu.vector_load %arg12[%swap3A_121, %swap3A_122, %swap3A_123] {strides = array<i32>} : memref<2x125x64xf32, #tpu.memory_space<vmem>>, vector<16xf32>,
      tpu.vector_store %arg12[%swap3A_121, %swap3A_122, %swap3A_123], %broadcast_in_dim3A_5 {strides = array<i32>} : memref<2x125x64xf32, #tpu.memory_space<vmem>>, vector<16xf32>,
      %swap3A_125 = arith.constant 0 : i32
      %swap3A_126 = arith.index_cast %swap3A_125 : i32 to index
      %swap3A_127 = arith.index_cast %scan3A_119 : i32 to index
      %swap3A_128 = arith.constant 16 : index
      %swap3A_129 = tpu.vector_load %arg12[%swap3A_126, %swap3A_127, %swap3A_128] {strides = array<i32>} : memref<2x125x64xf32, #tpu.memory_space<vmem>>, vector<16xf32>,
      tpu.vector_store %arg12[%swap3A_126, %swap3A_127, %swap3A_128], %broadcast_in_dim3A_5 {strides = array<i32>} : memref<2x125x64xf32, #tpu.memory_space<vmem>>, vector<16xf32>,
      %swap3A_130 = arith.constant 0 : i32
      %swap3A_131 = arith.index_cast %swap3A_130 : i32 to index
      %swap3A_132 = arith.index_cast %scan3A_119 : i32 to index
      %swap3A_133 = arith.constant 32 : index
      %swap3A_134 = tpu.vector_load %arg12[%swap3A_131, %swap3A_132, %swap3A_133] {strides = array<i32>} : memref<2x125x64xf32, #tpu.memory_space<vmem>>, vector<16xf32>,
      tpu.vector_store %arg12[%swap3A_131, %swap3A_132, %swap3A_133], %broadcast_in_dim3A_5 {strides = array<i32>} : memref<2x125x64xf32, #tpu.memory_space<vmem>>, vector<16xf32>,
      %swap3A_135 = arith.constant 0 : i32
      %swap3A_136 = arith.index_cast %swap3A_135 : i32 to index
      %swap3A_137 = arith.index_cast %scan3A_119 : i32 to index
      %swap3A_138 = arith.constant 48 : index
      %swap3A_139 = tpu.vector_load %arg12[%swap3A_136, %swap3A_137, %swap3A_138] {strides = array<i32>} : memref<2x125x64xf32, #tpu.memory_space<vmem>>, vector<16xf32>,
      tpu.vector_store %arg12[%swap3A_136, %swap3A_137, %swap3A_138], %broadcast_in_dim3A_5 {strides = array<i32>} : memref<2x125x64xf32, #tpu.memory_space<vmem>>, vector<16xf32>,
      %scan3A_140 = arith.constant 0 : i32
      scf.yield %scan3A_140 : i32
    }
    %scan3A_27 = arith.constant 125 : i32
    %scan3A_28 = arith.constant 0 : i32
    %scan3A_29 = arith.constant 0 : i32
    %scan3A_30 = arith.constant 625 : i32
    %scan3A_31 = arith.addi %scan3A_29, %scan3A_30 : i32
    %scan3A_32 = arith.constant 1 : i32
    %scan3A_33 = scf.for %scan3A_119 = %scan3A_29 to %scan3A_31 step %scan3A_32 iter_args(%scan3A_120 = %scan3A_28) -> (i32)  : i32 {
      %mul3A_121 = arith.constant 16 : i32
      %mul3A_122 = arith.muli %scan3A_119, %mul3A_121 : i32
      %swap3A = arith.index_cast %mul3A_122 : i32 to index
      %swap3A_123 = tpu.vector_load %arg13[%swap3A] {strides = array<i32>} : memref<10000xf32, #tpu.memory_space<vmem>>, vector<16xf32>,
      tpu.vector_store %arg13[%swap3A], %broadcast_in_dim3A_5 {strides = array<i32>} : memref<10000xf32, #tpu.memory_space<vmem>>, vector<16xf32>,
      %scan3A_124 = arith.constant 0 : i32
      scf.yield %scan3A_124 : i32
    }
    %scan3A_34 = arith.constant 625 : i32
    %add3A_35 = arith.constant 0 : i32
    %add3A_36 = arith.addi %mul3A_4, %add3A_35 : i32
    %run_scoped3A = arith.constant 0 : i32
    "tpu.region"() ({
      %run_scoped3A_119 = tpu.sem_alloc : memref<!tpu.dma_semaphore, #tpu.memory_space<semaphore_mem>>
      %dma_start3A_120 = arith.constant 0 : i32
      %dma_start3A_121 = arith.constant 0 : i32
      %dma_start3A_122 = tpu.memref_slice %arg12[%run_scoped3A, %dma_start3A_120, %dma_start3A_121] : memref<2x125x64xf32, #tpu.memory_space<vmem>> -> memref<1x125x64xf32, #tpu.memory_space<vmem>>
      %dma_start3A_123 = tpu.memref_squeeze %dma_start3A_122 : memref<1x125x64xf32, #tpu.memory_space<vmem>> -> memref<125x64xf32, #tpu.memory_space<vmem>>
      %dma_start3A_124 = arith.constant 0 : i32
      %dma_start3A_125 = tpu.memref_slice %arg14[%add3A_36, %dma_start3A_124] : memref<10000x64xf32, #tpu.memory_space<vmem_shared>> -> memref<125x64xf32, #tpu.memory_space<vmem_shared>>
      %dma_start3A_126 = arith.constant 0 : i32
      %dma_start3A_127 = tpu.memref_slice %arg14[%add3A_36, %dma_start3A_126] : memref<10000x64xf32, #tpu.memory_space<vmem_shared>> -> memref<125x64xf32, #tpu.memory_space<vmem_shared>>
      %dma_start3A_128 = arith.constant 0 : i32
      %dma_start3A_129 = arith.constant 0 : i32
      %dma_start3A_130 = tpu.memref_slice %arg12[%run_scoped3A, %dma_start3A_128, %dma_start3A_129] : memref<2x125x64xf32, #tpu.memory_space<vmem>> -> memref<1x125x64xf32, #tpu.memory_space<vmem>>
      %dma_start3A_131 = tpu.memref_squeeze %dma_start3A_130 : memref<1x125x64xf32, #tpu.memory_space<vmem>> -> memref<125x64xf32, #tpu.memory_space<vmem>>
      tpu.enqueue_dma source(%dma_start3A_131 : memref<125x64xf32, #tpu.memory_space<vmem>>) target(%dma_start3A_127 : memref<125x64xf32, #tpu.memory_space<vmem_shared>>) target_semaphore(%run_scoped3A_119 : memref<!tpu.dma_semaphore, #tpu.memory_space<semaphore_mem>>)
      %dma_wait3A_132 = arith.constant 0 : i32
      %dma_wait3A_133 = arith.constant 0 : i32
      %dma_wait3A_134 = tpu.memref_slice %arg12[%run_scoped3A, %dma_wait3A_132, %dma_wait3A_133] : memref<2x125x64xf32, #tpu.memory_space<vmem>> -> memref<1x125x64xf32, #tpu.memory_space<vmem>>
      %dma_wait3A_135 = tpu.memref_squeeze %dma_wait3A_134 : memref<1x125x64xf32, #tpu.memory_space<vmem>> -> memref<125x64xf32, #tpu.memory_space<vmem>>
      %dma_wait3A_136 = arith.constant 0 : i32
      %dma_wait3A_137 = tpu.memref_slice %arg14[%add3A_36, %dma_wait3A_136] : memref<10000x64xf32, #tpu.memory_space<vmem_shared>> -> memref<125x64xf32, #tpu.memory_space<vmem_shared>>
      %dma_wait3A_138 = arith.constant 0 : i32
      %dma_wait3A_139 = tpu.memref_slice %arg14[%add3A_36, %dma_wait3A_138] : memref<10000x64xf32, #tpu.memory_space<vmem_shared>> -> memref<125x64xf32, #tpu.memory_space<vmem_shared>>
      %dma_wait3A_140 = arith.constant 0 : i32
      %dma_wait3A_141 = arith.constant 0 : i32
      %dma_wait3A_142 = tpu.memref_slice %arg12[%run_scoped3A, %dma_wait3A_140, %dma_wait3A_141] : memref<2x125x64xf32, #tpu.memory_space<vmem>> -> memref<1x125x64xf32, #tpu.memory_space<vmem>>
      %dma_wait3A_143 = tpu.memref_squeeze %dma_wait3A_142 : memref<1x125x64xf32, #tpu.memory_space<vmem>> -> memref<125x64xf32, #tpu.memory_space<vmem>>
      tpu.wait_dma2 semaphore(%run_scoped3A_119 : memref<!tpu.dma_semaphore, #tpu.memory_space<semaphore_mem>>) src(%dma_wait3A_143 : memref<125x64xf32, #tpu.memory_space<vmem>>) dst(%dma_wait3A_139 : memref<125x64xf32, #tpu.memory_space<vmem_shared>>)
      tpu.yield
    }) : () -> ()
    %add3A_37 = arith.constant 125 : i32
    %add3A_38 = arith.addi %mul3A_4, %add3A_37 : i32
    %run_scoped3A_39 = arith.constant 0 : i32
    "tpu.region"() ({
      %run_scoped3A_119 = tpu.sem_alloc : memref<!tpu.dma_semaphore, #tpu.memory_space<semaphore_mem>>
      %dma_start3A_120 = arith.constant 0 : i32
      %dma_start3A_121 = arith.constant 0 : i32
      %dma_start3A_122 = tpu.memref_slice %arg12[%run_scoped3A_39, %dma_start3A_120, %dma_start3A_121] : memref<2x125x64xf32, #tpu.memory_space<vmem>> -> memref<1x125x64xf32, #tpu.memory_space<vmem>>
      %dma_start3A_123 = tpu.memref_squeeze %dma_start3A_122 : memref<1x125x64xf32, #tpu.memory_space<vmem>> -> memref<125x64xf32, #tpu.memory_space<vmem>>
      %dma_start3A_124 = arith.constant 0 : i32
      %dma_start3A_125 = tpu.memref_slice %arg14[%add3A_38, %dma_start3A_124] : memref<10000x64xf32, #tpu.memory_space<vmem_shared>> -> memref<125x64xf32, #tpu.memory_space<vmem_shared>>
      %dma_start3A_126 = arith.constant 0 : i32
      %dma_start3A_127 = tpu.memref_slice %arg14[%add3A_38, %dma_start3A_126] : memref<10000x64xf32, #tpu.memory_space<vmem_shared>> -> memref<125x64xf32, #tpu.memory_space<vmem_shared>>
      %dma_start3A_128 = arith.constant 0 : i32
      %dma_start3A_129 = arith.constant 0 : i32
      %dma_start3A_130 = tpu.memref_slice %arg12[%run_scoped3A_39, %dma_start3A_128, %dma_start3A_129] : memref<2x125x64xf32, #tpu.memory_space<vmem>> -> memref<1x125x64xf32, #tpu.memory_space<vmem>>
      %dma_start3A_131 = tpu.memref_squeeze %dma_start3A_130 : memref<1x125x64xf32, #tpu.memory_space<vmem>> -> memref<125x64xf32, #tpu.memory_space<vmem>>
      tpu.enqueue_dma source(%dma_start3A_131 : memref<125x64xf32, #tpu.memory_space<vmem>>) target(%dma_start3A_127 : memref<125x64xf32, #tpu.memory_space<vmem_shared>>) target_semaphore(%run_scoped3A_119 : memref<!tpu.dma_semaphore, #tpu.memory_space<semaphore_mem>>)
      %dma_wait3A_132 = arith.constant 0 : i32
      %dma_wait3A_133 = arith.constant 0 : i32
      %dma_wait3A_134 = tpu.memref_slice %arg12[%run_scoped3A_39, %dma_wait3A_132, %dma_wait3A_133] : memref<2x125x64xf32, #tpu.memory_space<vmem>> -> memref<1x125x64xf32, #tpu.memory_space<vmem>>
      %dma_wait3A_135 = tpu.memref_squeeze %dma_wait3A_134 : memref<1x125x64xf32, #tpu.memory_space<vmem>> -> memref<125x64xf32, #tpu.memory_space<vmem>>
      %dma_wait3A_136 = arith.constant 0 : i32
      %dma_wait3A_137 = tpu.memref_slice %arg14[%add3A_38, %dma_wait3A_136] : memref<10000x64xf32, #tpu.memory_space<vmem_shared>> -> memref<125x64xf32, #tpu.memory_space<vmem_shared>>
      %dma_wait3A_138 = arith.constant 0 : i32
      %dma_wait3A_139 = tpu.memref_slice %arg14[%add3A_38, %dma_wait3A_138] : memref<10000x64xf32, #tpu.memory_space<vmem_shared>> -> memref<125x64xf32, #tpu.memory_space<vmem_shared>>
      %dma_wait3A_140 = arith.constant 0 : i32
      %dma_wait3A_141 = arith.constant 0 : i32
      %dma_wait3A_142 = tpu.memref_slice %arg12[%run_scoped3A_39, %dma_wait3A_140, %dma_wait3A_141] : memref<2x125x64xf32, #tpu.memory_space<vmem>> -> memref<1x125x64xf32, #tpu.memory_space<vmem>>
      %dma_wait3A_143 = tpu.memref_squeeze %dma_wait3A_142 : memref<1x125x64xf32, #tpu.memory_space<vmem>> -> memref<125x64xf32, #tpu.memory_space<vmem>>
      tpu.wait_dma2 semaphore(%run_scoped3A_119 : memref<!tpu.dma_semaphore, #tpu.memory_space<semaphore_mem>>) src(%dma_wait3A_143 : memref<125x64xf32, #tpu.memory_space<vmem>>) dst(%dma_wait3A_139 : memref<125x64xf32, #tpu.memory_space<vmem_shared>>)
      tpu.yield
    }) : () -> ()
    %add3A_40 = arith.constant 250 : i32
    %add3A_41 = arith.addi %mul3A_4, %add3A_40 : i32
    %run_scoped3A_42 = arith.constant 0 : i32
    "tpu.region"() ({
      %run_scoped3A_119 = tpu.sem_alloc : memref<!tpu.dma_semaphore, #tpu.memory_space<semaphore_mem>>
      %dma_start3A_120 = arith.constant 0 : i32
      %dma_start3A_121 = arith.constant 0 : i32
      %dma_start3A_122 = tpu.memref_slice %arg12[%run_scoped3A_42, %dma_start3A_120, %dma_start3A_121] : memref<2x125x64xf32, #tpu.memory_space<vmem>> -> memref<1x125x64xf32, #tpu.memory_space<vmem>>
      %dma_start3A_123 = tpu.memref_squeeze %dma_start3A_122 : memref<1x125x64xf32, #tpu.memory_space<vmem>> -> memref<125x64xf32, #tpu.memory_space<vmem>>
      %dma_start3A_124 = arith.constant 0 : i32
      %dma_start3A_125 = tpu.memref_slice %arg14[%add3A_41, %dma_start3A_124] : memref<10000x64xf32, #tpu.memory_space<vmem_shared>> -> memref<125x64xf32, #tpu.memory_space<vmem_shared>>
      %dma_start3A_126 = arith.constant 0 : i32
      %dma_start3A_127 = tpu.memref_slice %arg14[%add3A_41, %dma_start3A_126] : memref<10000x64xf32, #tpu.memory_space<vmem_shared>> -> memref<125x64xf32, #tpu.memory_space<vmem_shared>>
      %dma_start3A_128 = arith.constant 0 : i32
      %dma_start3A_129 = arith.constant 0 : i32
      %dma_start3A_130 = tpu.memref_slice %arg12[%run_scoped3A_42, %dma_start3A_128, %dma_start3A_129] : memref<2x125x64xf32, #tpu.memory_space<vmem>> -> memref<1x125x64xf32, #tpu.memory_space<vmem>>
      %dma_start3A_131 = tpu.memref_squeeze %dma_start3A_130 : memref<1x125x64xf32, #tpu.memory_space<vmem>> -> memref<125x64xf32, #tpu.memory_space<vmem>>
      tpu.enqueue_dma source(%dma_start3A_131 : memref<125x64xf32, #tpu.memory_space<vmem>>) target(%dma_start3A_127 : memref<125x64xf32, #tpu.memory_space<vmem_shared>>) target_semaphore(%run_scoped3A_119 : memref<!tpu.dma_semaphore, #tpu.memory_space<semaphore_mem>>)
      %dma_wait3A_132 = arith.constant 0 : i32
      %dma_wait3A_133 = arith.constant 0 : i32
      %dma_wait3A_134 = tpu.memref_slice %arg12[%run_scoped3A_42, %dma_wait3A_132, %dma_wait3A_133] : memref<2x125x64xf32, #tpu.memory_space<vmem>> -> memref<1x125x64xf32, #tpu.memory_space<vmem>>
      %dma_wait3A_135 = tpu.memref_squeeze %dma_wait3A_134 : memref<1x125x64xf32, #tpu.memory_space<vmem>> -> memref<125x64xf32, #tpu.memory_space<vmem>>
      %dma_wait3A_136 = arith.constant 0 : i32
      %dma_wait3A_137 = tpu.memref_slice %arg14[%add3A_41, %dma_wait3A_136] : memref<10000x64xf32, #tpu.memory_space<vmem_shared>> -> memref<125x64xf32, #tpu.memory_space<vmem_shared>>
      %dma_wait3A_138 = arith.constant 0 : i32
      %dma_wait3A_139 = tpu.memref_slice %arg14[%add3A_41, %dma_wait3A_138] : memref<10000x64xf32, #tpu.memory_space<vmem_shared>> -> memref<125x64xf32, #tpu.memory_space<vmem_shared>>
      %dma_wait3A_140 = arith.constant 0 : i32
      %dma_wait3A_141 = arith.constant 0 : i32
      %dma_wait3A_142 = tpu.memref_slice %arg12[%run_scoped3A_42, %dma_wait3A_140, %dma_wait3A_141] : memref<2x125x64xf32, #tpu.memory_space<vmem>> -> memref<1x125x64xf32, #tpu.memory_space<vmem>>
      %dma_wait3A_143 = tpu.memref_squeeze %dma_wait3A_142 : memref<1x125x64xf32, #tpu.memory_space<vmem>> -> memref<125x64xf32, #tpu.memory_space<vmem>>
      tpu.wait_dma2 semaphore(%run_scoped3A_119 : memref<!tpu.dma_semaphore, #tpu.memory_space<semaphore_mem>>) src(%dma_wait3A_143 : memref<125x64xf32, #tpu.memory_space<vmem>>) dst(%dma_wait3A_139 : memref<125x64xf32, #tpu.memory_space<vmem_shared>>)
      tpu.yield
    }) : () -> ()
    %add3A_43 = arith.constant 375 : i32
    %add3A_44 = arith.addi %mul3A_4, %add3A_43 : i32
    %run_scoped3A_45 = arith.constant 0 : i32
    "tpu.region"() ({
      %run_scoped3A_119 = tpu.sem_alloc : memref<!tpu.dma_semaphore, #tpu.memory_space<semaphore_mem>>
      %dma_start3A_120 = arith.constant 0 : i32
      %dma_start3A_121 = arith.constant 0 : i32
      %dma_start3A_122 = tpu.memref_slice %arg12[%run_scoped3A_45, %dma_start3A_120, %dma_start3A_121] : memref<2x125x64xf32, #tpu.memory_space<vmem>> -> memref<1x125x64xf32, #tpu.memory_space<vmem>>
      %dma_start3A_123 = tpu.memref_squeeze %dma_start3A_122 : memref<1x125x64xf32, #tpu.memory_space<vmem>> -> memref<125x64xf32, #tpu.memory_space<vmem>>
      %dma_start3A_124 = arith.constant 0 : i32
      %dma_start3A_125 = tpu.memref_slice %arg14[%add3A_44, %dma_start3A_124] : memref<10000x64xf32, #tpu.memory_space<vmem_shared>> -> memref<125x64xf32, #tpu.memory_space<vmem_shared>>
      %dma_start3A_126 = arith.constant 0 : i32
      %dma_start3A_127 = tpu.memref_slice %arg14[%add3A_44, %dma_start3A_126] : memref<10000x64xf32, #tpu.memory_space<vmem_shared>> -> memref<125x64xf32, #tpu.memory_space<vmem_shared>>
      %dma_start3A_128 = arith.constant 0 : i32
      %dma_start3A_129 = arith.constant 0 : i32
      %dma_start3A_130 = tpu.memref_slice %arg12[%run_scoped3A_45, %dma_start3A_128, %dma_start3A_129] : memref<2x125x64xf32, #tpu.memory_space<vmem>> -> memref<1x125x64xf32, #tpu.memory_space<vmem>>
      %dma_start3A_131 = tpu.memref_squeeze %dma_start3A_130 : memref<1x125x64xf32, #tpu.memory_space<vmem>> -> memref<125x64xf32, #tpu.memory_space<vmem>>
      tpu.enqueue_dma source(%dma_start3A_131 : memref<125x64xf32, #tpu.memory_space<vmem>>) target(%dma_start3A_127 : memref<125x64xf32, #tpu.memory_space<vmem_shared>>) target_semaphore(%run_scoped3A_119 : memref<!tpu.dma_semaphore, #tpu.memory_space<semaphore_mem>>)
      %dma_wait3A_132 = arith.constant 0 : i32
      %dma_wait3A_133 = arith.constant 0 : i32
      %dma_wait3A_134 = tpu.memref_slice %arg12[%run_scoped3A_45, %dma_wait3A_132, %dma_wait3A_133] : memref<2x125x64xf32, #tpu.memory_space<vmem>> -> memref<1x125x64xf32, #tpu.memory_space<vmem>>
      %dma_wait3A_135 = tpu.memref_squeeze %dma_wait3A_134 : memref<1x125x64xf32, #tpu.memory_space<vmem>> -> memref<125x64xf32, #tpu.memory_space<vmem>>
      %dma_wait3A_136 = arith.constant 0 : i32
      %dma_wait3A_137 = tpu.memref_slice %arg14[%add3A_44, %dma_wait3A_136] : memref<10000x64xf32, #tpu.memory_space<vmem_shared>> -> memref<125x64xf32, #tpu.memory_space<vmem_shared>>
      %dma_wait3A_138 = arith.constant 0 : i32
      %dma_wait3A_139 = tpu.memref_slice %arg14[%add3A_44, %dma_wait3A_138] : memref<10000x64xf32, #tpu.memory_space<vmem_shared>> -> memref<125x64xf32, #tpu.memory_space<vmem_shared>>
      %dma_wait3A_140 = arith.constant 0 : i32
      %dma_wait3A_141 = arith.constant 0 : i32
      %dma_wait3A_142 = tpu.memref_slice %arg12[%run_scoped3A_45, %dma_wait3A_140, %dma_wait3A_141] : memref<2x125x64xf32, #tpu.memory_space<vmem>> -> memref<1x125x64xf32, #tpu.memory_space<vmem>>
      %dma_wait3A_143 = tpu.memref_squeeze %dma_wait3A_142 : memref<1x125x64xf32, #tpu.memory_space<vmem>> -> memref<125x64xf32, #tpu.memory_space<vmem>>
      tpu.wait_dma2 semaphore(%run_scoped3A_119 : memref<!tpu.dma_semaphore, #tpu.memory_space<semaphore_mem>>) src(%dma_wait3A_143 : memref<125x64xf32, #tpu.memory_space<vmem>>) dst(%dma_wait3A_139 : memref<125x64xf32, #tpu.memory_space<vmem_shared>>)
      tpu.yield
    }) : () -> ()
    %add3A_46 = arith.constant 500 : i32
    %add3A_47 = arith.addi %mul3A_4, %add3A_46 : i32
    %run_scoped3A_48 = arith.constant 0 : i32
    "tpu.region"() ({
      %run_scoped3A_119 = tpu.sem_alloc : memref<!tpu.dma_semaphore, #tpu.memory_space<semaphore_mem>>
      %dma_start3A_120 = arith.constant 0 : i32
      %dma_start3A_121 = arith.constant 0 : i32
      %dma_start3A_122 = tpu.memref_slice %arg12[%run_scoped3A_48, %dma_start3A_120, %dma_start3A_121] : memref<2x125x64xf32, #tpu.memory_space<vmem>> -> memref<1x125x64xf32, #tpu.memory_space<vmem>>
      %dma_start3A_123 = tpu.memref_squeeze %dma_start3A_122 : memref<1x125x64xf32, #tpu.memory_space<vmem>> -> memref<125x64xf32, #tpu.memory_space<vmem>>
      %dma_start3A_124 = arith.constant 0 : i32
      %dma_start3A_125 = tpu.memref_slice %arg14[%add3A_47, %dma_start3A_124] : memref<10000x64xf32, #tpu.memory_space<vmem_shared>> -> memref<125x64xf32, #tpu.memory_space<vmem_shared>>
      %dma_start3A_126 = arith.constant 0 : i32
      %dma_start3A_127 = tpu.memref_slice %arg14[%add3A_47, %dma_start3A_126] : memref<10000x64xf32, #tpu.memory_space<vmem_shared>> -> memref<125x64xf32, #tpu.memory_space<vmem_shared>>
      %dma_start3A_128 = arith.constant 0 : i32
      %dma_start3A_129 = arith.constant 0 : i32
      %dma_start3A_130 = tpu.memref_slice %arg12[%run_scoped3A_48, %dma_start3A_128, %dma_start3A_129] : memref<2x125x64xf32, #tpu.memory_space<vmem>> -> memref<1x125x64xf32, #tpu.memory_space<vmem>>
      %dma_start3A_131 = tpu.memref_squeeze %dma_start3A_130 : memref<1x125x64xf32, #tpu.memory_space<vmem>> -> memref<125x64xf32, #tpu.memory_space<vmem>>
      tpu.enqueue_dma source(%dma_start3A_131 : memref<125x64xf32, #tpu.memory_space<vmem>>) target(%dma_start3A_127 : memref<125x64xf32, #tpu.memory_space<vmem_shared>>) target_semaphore(%run_scoped3A_119 : memref<!tpu.dma_semaphore, #tpu.memory_space<semaphore_mem>>)
      %dma_wait3A_132 = arith.constant 0 : i32
      %dma_wait3A_133 = arith.constant 0 : i32
      %dma_wait3A_134 = tpu.memref_slice %arg12[%run_scoped3A_48, %dma_wait3A_132, %dma_wait3A_133] : memref<2x125x64xf32, #tpu.memory_space<vmem>> -> memref<1x125x64xf32, #tpu.memory_space<vmem>>
      %dma_wait3A_135 = tpu.memref_squeeze %dma_wait3A_134 : memref<1x125x64xf32, #tpu.memory_space<vmem>> -> memref<125x64xf32, #tpu.memory_space<vmem>>
      %dma_wait3A_136 = arith.constant 0 : i32
      %dma_wait3A_137 = tpu.memref_slice %arg14[%add3A_47, %dma_wait3A_136] : memref<10000x64xf32, #tpu.memory_space<vmem_shared>> -> memref<125x64xf32, #tpu.memory_space<vmem_shared>>
      %dma_wait3A_138 = arith.constant 0 : i32
      %dma_wait3A_139 = tpu.memref_slice %arg14[%add3A_47, %dma_wait3A_138] : memref<10000x64xf32, #tpu.memory_space<vmem_shared>> -> memref<125x64xf32, #tpu.memory_space<vmem_shared>>
      %dma_wait3A_140 = arith.constant 0 : i32
      %dma_wait3A_141 = arith.constant 0 : i32
      %dma_wait3A_142 = tpu.memref_slice %arg12[%run_scoped3A_48, %dma_wait3A_140, %dma_wait3A_141] : memref<2x125x64xf32, #tpu.memory_space<vmem>> -> memref<1x125x64xf32, #tpu.memory_space<vmem>>
      %dma_wait3A_143 = tpu.memref_squeeze %dma_wait3A_142 : memref<1x125x64xf32, #tpu.memory_space<vmem>> -> memref<125x64xf32, #tpu.memory_space<vmem>>
      tpu.wait_dma2 semaphore(%run_scoped3A_119 : memref<!tpu.dma_semaphore, #tpu.memory_space<semaphore_mem>>) src(%dma_wait3A_143 : memref<125x64xf32, #tpu.memory_space<vmem>>) dst(%dma_wait3A_139 : memref<125x64xf32, #tpu.memory_space<vmem_shared>>)
      tpu.yield
    }) : () -> ()
    %dma_wait3A = arith.constant 0 : i32
    %dma_wait3A_49 = tpu.memref_slice %arg3[%mul3A_2, %dma_wait3A] : memref<2560x125xi32, #tpu.memory_space<hbm>> -> memref<160x125xi32, #tpu.memory_space<hbm>>
    %dma_wait3A_50 = arith.constant 0 : i32
    %dma_wait3A_51 = tpu.memref_slice %arg3[%mul3A_2, %dma_wait3A_50] : memref<2560x125xi32, #tpu.memory_space<hbm>> -> memref<160x125xi32, #tpu.memory_space<hbm>>
    tpu.wait_dma2 semaphore(%arg23 : memref<!tpu.dma_semaphore, #tpu.memory_space<semaphore_mem>>) src(%dma_wait3A_51 : memref<160x125xi32, #tpu.memory_space<hbm>>) dst(%arg9 : memref<160x125xi32, #tpu.memory_space<vmem>>)
    %dma_wait3A_52 = arith.constant 0 : i32
    %dma_wait3A_53 = tpu.memref_slice %arg5[%mul3A_2, %dma_wait3A_52] : memref<2560x125xi32, #tpu.memory_space<hbm>> -> memref<160x125xi32, #tpu.memory_space<hbm>>
    %dma_wait3A_54 = arith.constant 0 : i32
    %dma_wait3A_55 = tpu.memref_slice %arg5[%mul3A_2, %dma_wait3A_54] : memref<2560x125xi32, #tpu.memory_space<hbm>> -> memref<160x125xi32, #tpu.memory_space<hbm>>
    tpu.wait_dma2 semaphore(%arg21 : memref<!tpu.dma_semaphore, #tpu.memory_space<semaphore_mem>>) src(%dma_wait3A_55 : memref<160x125xi32, #tpu.memory_space<hbm>>) dst(%arg10 : memref<160x125xi32, #tpu.memory_space<vmem>>)
    %mul3A_56 = arith.constant 10000 : i32
    %mul3A_57 = arith.muli %add3A, %mul3A_56 : i32
    %dma_wait3A_58 = tpu.memref_slice %arg6[%mul3A_57] : memref<320000xi32, #tpu.memory_space<hbm>> -> memref<10000xi32, #tpu.memory_space<hbm>>
    %dma_wait3A_59 = tpu.memref_slice %arg6[%mul3A_57] : memref<320000xi32, #tpu.memory_space<hbm>> -> memref<10000xi32, #tpu.memory_space<hbm>>
    tpu.wait_dma2 semaphore(%arg22 : memref<!tpu.dma_semaphore, #tpu.memory_space<semaphore_mem>>) src(%dma_wait3A_59 : memref<10000xi32, #tpu.memory_space<hbm>>) dst(%arg11 : memref<10000xi32, #tpu.memory_space<vmem>>)
    %barrier3A = arith.constant 0 : index
    tpu.barrier barrier_id(%barrier3A)
    %dma_start3A_60 = arith.constant 0 : i32
    %dma_start3A_61 = arith.constant 0 : i32
    %dma_start3A_62 = arith.constant 0 : i32
    %dma_start3A_63 = arith.constant 0 : i32
    %dma_start3A_64 = tpu.memref_slice %arg12[%dma_start3A_61, %dma_start3A_62, %dma_start3A_63] : memref<2x125x64xf32, #tpu.memory_space<vmem>> -> memref<1x125x64xf32, #tpu.memory_space<vmem>>
    %dma_start3A_65 = tpu.memref_squeeze %dma_start3A_64 : memref<1x125x64xf32, #tpu.memory_space<vmem>> -> memref<125x64xf32, #tpu.memory_space<vmem>>
    %dma_start3A_66 = arith.constant 0 : i32
    %dma_start3A_67 = tpu.memref_slice %arg9[%dma_start3A_60, %dma_start3A_66] : memref<160x125xi32, #tpu.memory_space<vmem>> -> memref<1x125xi32, #tpu.memory_space<vmem>>
    %dma_start3A_68 = tpu.memref_squeeze %dma_start3A_67 : memref<1x125xi32, #tpu.memory_space<vmem>> -> memref<125xi32, #tpu.memory_space<vmem>>
    %dma_start3A_69 = arith.constant 0 : i32
    %dma_start3A_70 = arith.constant 0 : i32
    %dma_start3A_71 = tpu.memref_slice %arg2[%dma_start3A_69, %dma_start3A_70] : memref<20000x64xf32, #tpu.memory_space<hbm>> -> memref<20000x64xf32, #tpu.memory_space<hbm>>
    tpu.enqueue_indirect_dma source(%dma_start3A_71 : memref<20000x64xf32, #tpu.memory_space<hbm>>) target(%dma_start3A_65 : memref<125x64xf32, #tpu.memory_space<vmem>>) offsets(%dma_start3A_68 : memref<125xi32, #tpu.memory_space<vmem>>) semaphore(%arg15 : memref<!tpu.dma_semaphore, #tpu.memory_space<semaphore_mem>>)
    %dma_start3A_72 = arith.constant 1 : i32
    %dma_start3A_73 = arith.constant 1 : i32
    %dma_start3A_74 = arith.constant 0 : i32
    %dma_start3A_75 = arith.constant 0 : i32
    %dma_start3A_76 = tpu.memref_slice %arg12[%dma_start3A_73, %dma_start3A_74, %dma_start3A_75] : memref<2x125x64xf32, #tpu.memory_space<vmem>> -> memref<1x125x64xf32, #tpu.memory_space<vmem>>
    %dma_start3A_77 = tpu.memref_squeeze %dma_start3A_76 : memref<1x125x64xf32, #tpu.memory_space<vmem>> -> memref<125x64xf32, #tpu.memory_space<vmem>>
    %dma_start3A_78 = arith.constant 0 : i32
    %dma_start3A_79 = tpu.memref_slice %arg9[%dma_start3A_72, %dma_start3A_78] : memref<160x125xi32, #tpu.memory_space<vmem>> -> memref<1x125xi32, #tpu.memory_space<vmem>>
    %dma_start3A_80 = tpu.memref_squeeze %dma_start3A_79 : memref<1x125xi32, #tpu.memory_space<vmem>> -> memref<125xi32, #tpu.memory_space<vmem>>
    %dma_start3A_81 = arith.constant 0 : i32
    %dma_start3A_82 = arith.constant 0 : i32
    %dma_start3A_83 = tpu.memref_slice %arg2[%dma_start3A_81, %dma_start3A_82] : memref<20000x64xf32, #tpu.memory_space<hbm>> -> memref<20000x64xf32, #tpu.memory_space<hbm>>
    tpu.enqueue_indirect_dma source(%dma_start3A_83 : memref<20000x64xf32, #tpu.memory_space<hbm>>) target(%dma_start3A_77 : memref<125x64xf32, #tpu.memory_space<vmem>>) offsets(%dma_start3A_80 : memref<125xi32, #tpu.memory_space<vmem>>) semaphore(%arg16 : memref<!tpu.dma_semaphore, #tpu.memory_space<semaphore_mem>>)
    %scan3A_84 = arith.constant 0 : i32
    %scan3A_85 = arith.constant 0 : i32
    %scan3A_86 = arith.constant 40 : i32
    %scan3A_87 = arith.addi %scan3A_85, %scan3A_86 : i32
    %scan3A_88 = arith.constant 1 : i32
    %scan3A_89 = scf.for %scan3A_119 = %scan3A_85 to %scan3A_87 step %scan3A_88 iter_args(%scan3A_120 = %scan3A_84) -> (i32)  : i32 {
      %mul3A_121 = arith.constant 4 : i32
      %mul3A_122 = arith.muli %scan3A_119, %mul3A_121 : i32
      %add3A_123 = arith.constant 0 : i32
      %add3A_124 = arith.addi %mul3A_122, %add3A_123 : i32
      %dma_wait3A_125 = arith.constant 0 : i32
      %dma_wait3A_126 = arith.constant 0 : i32
      %dma_wait3A_127 = arith.constant 0 : i32
      %dma_wait3A_128 = tpu.memref_slice %arg12[%dma_wait3A_125, %dma_wait3A_126, %dma_wait3A_127] : memref<2x125x64xf32, #tpu.memory_space<vmem>> -> memref<1x125x64xf32, #tpu.memory_space<vmem>>
      %dma_wait3A_129 = tpu.memref_squeeze %dma_wait3A_128 : memref<1x125x64xf32, #tpu.memory_space<vmem>> -> memref<125x64xf32, #tpu.memory_space<vmem>>
      %dma_wait3A_130 = arith.constant 0 : i32
      %dma_wait3A_131 = tpu.memref_slice %arg9[%add3A_124, %dma_wait3A_130] : memref<160x125xi32, #tpu.memory_space<vmem>> -> memref<1x125xi32, #tpu.memory_space<vmem>>
      %dma_wait3A_132 = tpu.memref_squeeze %dma_wait3A_131 : memref<1x125xi32, #tpu.memory_space<vmem>> -> memref<125xi32, #tpu.memory_space<vmem>>
      %dma_wait3A_133 = arith.constant 0 : i32
      %dma_wait3A_134 = arith.constant 0 : i32
      %dma_wait3A_135 = tpu.memref_slice %arg2[%dma_wait3A_133, %dma_wait3A_134] : memref<20000x64xf32, #tpu.memory_space<hbm>> -> memref<20000x64xf32, #tpu.memory_space<hbm>>
      tpu.wait_indirect_dma semaphore(%arg15 : memref<!tpu.dma_semaphore, #tpu.memory_space<semaphore_mem>>) src(%dma_wait3A_135 : memref<20000x64xf32, #tpu.memory_space<hbm>>) dst(%dma_wait3A_129 : memref<125x64xf32, #tpu.memory_space<vmem>>)
      %dma_start3A_136 = arith.constant 0 : i32
      %dma_start3A_137 = arith.constant 0 : i32
      %dma_start3A_138 = arith.constant 0 : i32
      %dma_start3A_139 = tpu.memref_slice %arg12[%dma_start3A_136, %dma_start3A_137, %dma_start3A_138] : memref<2x125x64xf32, #tpu.memory_space<vmem>> -> memref<1x125x64xf32, #tpu.memory_space<vmem>>
      %dma_start3A_140 = tpu.memref_squeeze %dma_start3A_139 : memref<1x125x64xf32, #tpu.memory_space<vmem>> -> memref<125x64xf32, #tpu.memory_space<vmem>>
      %dma_start3A_141 = arith.constant 0 : i32
      %dma_start3A_142 = tpu.memref_slice %arg10[%add3A_124, %dma_start3A_141] : memref<160x125xi32, #tpu.memory_space<vmem>> -> memref<1x125xi32, #tpu.memory_space<vmem>>
      %dma_start3A_143 = tpu.memref_squeeze %dma_start3A_142 : memref<1x125xi32, #tpu.memory_space<vmem>> -> memref<125xi32, #tpu.memory_space<vmem>>
      %dma_start3A_144 = arith.constant 0 : i32
      %dma_start3A_145 = arith.constant 0 : i32
      %dma_start3A_146 = tpu.memref_slice %arg14[%dma_start3A_144, %dma_start3A_145] : memref<10000x64xf32, #tpu.memory_space<vmem_shared>> -> memref<10000x64xf32, #tpu.memory_space<vmem_shared>>
      tpu.enqueue_indirect_dma source(%dma_start3A_140 : memref<125x64xf32, #tpu.memory_space<vmem>>) target(%dma_start3A_146 : memref<10000x64xf32, #tpu.memory_space<vmem_shared>>) offsets(%dma_start3A_143 : memref<125xi32, #tpu.memory_space<vmem>>) semaphore(%arg19 : memref<!tpu.dma_semaphore, #tpu.memory_space<semaphore_mem>>) {add = true}
      %dma_wait3A_147 = arith.constant 0 : i32
      %dma_wait3A_148 = arith.constant 0 : i32
      %dma_wait3A_149 = arith.constant 0 : i32
      %dma_wait3A_150 = tpu.memref_slice %arg12[%dma_wait3A_147, %dma_wait3A_148, %dma_wait3A_149] : memref<2x125x64xf32, #tpu.memory_space<vmem>> -> memref<1x125x64xf32, #tpu.memory_space<vmem>>
      %dma_wait3A_151 = tpu.memref_squeeze %dma_wait3A_150 : memref<1x125x64xf32, #tpu.memory_space<vmem>> -> memref<125x64xf32, #tpu.memory_space<vmem>>
      %dma_wait3A_152 = arith.constant 0 : i32
      %dma_wait3A_153 = tpu.memref_slice %arg10[%add3A_124, %dma_wait3A_152] : memref<160x125xi32, #tpu.memory_space<vmem>> -> memref<1x125xi32, #tpu.memory_space<vmem>>
      %dma_wait3A_154 = tpu.memref_squeeze %dma_wait3A_153 : memref<1x125xi32, #tpu.memory_space<vmem>> -> memref<125xi32, #tpu.memory_space<vmem>>
      %dma_wait3A_155 = arith.constant 0 : i32
      %dma_wait3A_156 = arith.constant 0 : i32
      %dma_wait3A_157 = tpu.memref_slice %arg14[%dma_wait3A_155, %dma_wait3A_156] : memref<10000x64xf32, #tpu.memory_space<vmem_shared>> -> memref<10000x64xf32, #tpu.memory_space<vmem_shared>>
      tpu.wait_indirect_dma semaphore(%arg19 : memref<!tpu.dma_semaphore, #tpu.memory_space<semaphore_mem>>) src(%dma_wait3A_151 : memref<125x64xf32, #tpu.memory_space<vmem>>) dst(%dma_wait3A_157 : memref<10000x64xf32, #tpu.memory_space<vmem_shared>>)
      %add3A_158 = arith.constant 2 : i32
      %add3A_159 = arith.addi %add3A_124, %add3A_158 : i32
      %lt3A = arith.constant 160 : i32
      %lt3A_160 = arith.cmpi slt, %add3A_159, %lt3A : i32
      %convert_element_type3A_161 = arith.extui %lt3A_160 : i1 to i32
      %cond3A_162 = arith.constant 0 : i32
      %cond3A_163 = arith.cmpi ne, %convert_element_type3A_161, %cond3A_162 : i32
      scf.if %cond3A_163 {
        %add3A_297 = arith.constant 2 : i32
        %add3A_298 = arith.addi %add3A_124, %add3A_297 : i32
        %dma_start3A_299 = arith.constant 0 : i32
        %dma_start3A_300 = arith.constant 0 : i32
        %dma_start3A_301 = arith.constant 0 : i32
        %dma_start3A_302 = tpu.memref_slice %arg12[%dma_start3A_299, %dma_start3A_300, %dma_start3A_301] : memref<2x125x64xf32, #tpu.memory_space<vmem>> -> memref<1x125x64xf32, #tpu.memory_space<vmem>>
        %dma_start3A_303 = tpu.memref_squeeze %dma_start3A_302 : memref<1x125x64xf32, #tpu.memory_space<vmem>> -> memref<125x64xf32, #tpu.memory_space<vmem>>
        %dma_start3A_304 = arith.constant 0 : i32
        %dma_start3A_305 = tpu.memref_slice %arg9[%add3A_298, %dma_start3A_304] : memref<160x125xi32, #tpu.memory_space<vmem>> -> memref<1x125xi32, #tpu.memory_space<vmem>>
        %dma_start3A_306 = tpu.memref_squeeze %dma_start3A_305 : memref<1x125xi32, #tpu.memory_space<vmem>> -> memref<125xi32, #tpu.memory_space<vmem>>
        %dma_start3A_307 = arith.constant 0 : i32
        %dma_start3A_308 = arith.constant 0 : i32
        %dma_start3A_309 = tpu.memref_slice %arg2[%dma_start3A_307, %dma_start3A_308] : memref<20000x64xf32, #tpu.memory_space<hbm>> -> memref<20000x64xf32, #tpu.memory_space<hbm>>
        tpu.enqueue_indirect_dma source(%dma_start3A_309 : memref<20000x64xf32, #tpu.memory_space<hbm>>) target(%dma_start3A_303 : memref<125x64xf32, #tpu.memory_space<vmem>>) offsets(%dma_start3A_306 : memref<125xi32, #tpu.memory_space<vmem>>) semaphore(%arg15 : memref<!tpu.dma_semaphore, #tpu.memory_space<semaphore_mem>>)
      } else {
      }
      %mul3A_164 = arith.constant 4 : i32
      %mul3A_165 = arith.muli %scan3A_119, %mul3A_164 : i32
      %add3A_166 = arith.constant 1 : i32
      %add3A_167 = arith.addi %mul3A_165, %add3A_166 : i32
      %dma_wait3A_168 = arith.constant 1 : i32
      %dma_wait3A_169 = arith.constant 0 : i32
      %dma_wait3A_170 = arith.constant 0 : i32
      %dma_wait3A_171 = tpu.memref_slice %arg12[%dma_wait3A_168, %dma_wait3A_169, %dma_wait3A_170] : memref<2x125x64xf32, #tpu.memory_space<vmem>> -> memref<1x125x64xf32, #tpu.memory_space<vmem>>
      %dma_wait3A_172 = tpu.memref_squeeze %dma_wait3A_171 : memref<1x125x64xf32, #tpu.memory_space<vmem>> -> memref<125x64xf32, #tpu.memory_space<vmem>>
      %dma_wait3A_173 = arith.constant 0 : i32
      %dma_wait3A_174 = tpu.memref_slice %arg9[%add3A_167, %dma_wait3A_173] : memref<160x125xi32, #tpu.memory_space<vmem>> -> memref<1x125xi32, #tpu.memory_space<vmem>>
      %dma_wait3A_175 = tpu.memref_squeeze %dma_wait3A_174 : memref<1x125xi32, #tpu.memory_space<vmem>> -> memref<125xi32, #tpu.memory_space<vmem>>
      %dma_wait3A_176 = arith.constant 0 : i32
      %dma_wait3A_177 = arith.constant 0 : i32
      %dma_wait3A_178 = tpu.memref_slice %arg2[%dma_wait3A_176, %dma_wait3A_177] : memref<20000x64xf32, #tpu.memory_space<hbm>> -> memref<20000x64xf32, #tpu.memory_space<hbm>>
      tpu.wait_indirect_dma semaphore(%arg16 : memref<!tpu.dma_semaphore, #tpu.memory_space<semaphore_mem>>) src(%dma_wait3A_178 : memref<20000x64xf32, #tpu.memory_space<hbm>>) dst(%dma_wait3A_172 : memref<125x64xf32, #tpu.memory_space<vmem>>)
      %dma_start3A_179 = arith.constant 1 : i32
      %dma_start3A_180 = arith.constant 0 : i32
      %dma_start3A_181 = arith.constant 0 : i32
      %dma_start3A_182 = tpu.memref_slice %arg12[%dma_start3A_179, %dma_start3A_180, %dma_start3A_181] : memref<2x125x64xf32, #tpu.memory_space<vmem>> -> memref<1x125x64xf32, #tpu.memory_space<vmem>>
      %dma_start3A_183 = tpu.memref_squeeze %dma_start3A_182 : memref<1x125x64xf32, #tpu.memory_space<vmem>> -> memref<125x64xf32, #tpu.memory_space<vmem>>
      %dma_start3A_184 = arith.constant 0 : i32
      %dma_start3A_185 = tpu.memref_slice %arg10[%add3A_167, %dma_start3A_184] : memref<160x125xi32, #tpu.memory_space<vmem>> -> memref<1x125xi32, #tpu.memory_space<vmem>>
      %dma_start3A_186 = tpu.memref_squeeze %dma_start3A_185 : memref<1x125xi32, #tpu.memory_space<vmem>> -> memref<125xi32, #tpu.memory_space<vmem>>
      %dma_start3A_187 = arith.constant 0 : i32
      %dma_start3A_188 = arith.constant 0 : i32
      %dma_start3A_189 = tpu.memref_slice %arg14[%dma_start3A_187, %dma_start3A_188] : memref<10000x64xf32, #tpu.memory_space<vmem_shared>> -> memref<10000x64xf32, #tpu.memory_space<vmem_shared>>
      tpu.enqueue_indirect_dma source(%dma_start3A_183 : memref<125x64xf32, #tpu.memory_space<vmem>>) target(%dma_start3A_189 : memref<10000x64xf32, #tpu.memory_space<vmem_shared>>) offsets(%dma_start3A_186 : memref<125xi32, #tpu.memory_space<vmem>>) semaphore(%arg20 : memref<!tpu.dma_semaphore, #tpu.memory_space<semaphore_mem>>) {add = true}
      %dma_wait3A_190 = arith.constant 1 : i32
      %dma_wait3A_191 = arith.constant 0 : i32
      %dma_wait3A_192 = arith.constant 0 : i32
      %dma_wait3A_193 = tpu.memref_slice %arg12[%dma_wait3A_190, %dma_wait3A_191, %dma_wait3A_192] : memref<2x125x64xf32, #tpu.memory_space<vmem>> -> memref<1x125x64xf32, #tpu.memory_space<vmem>>
      %dma_wait3A_194 = tpu.memref_squeeze %dma_wait3A_193 : memref<1x125x64xf32, #tpu.memory_space<vmem>> -> memref<125x64xf32, #tpu.memory_space<vmem>>
      %dma_wait3A_195 = arith.constant 0 : i32
      %dma_wait3A_196 = tpu.memref_slice %arg10[%add3A_167, %dma_wait3A_195] : memref<160x125xi32, #tpu.memory_space<vmem>> -> memref<1x125xi32, #tpu.memory_space<vmem>>
      %dma_wait3A_197 = tpu.memref_squeeze %dma_wait3A_196 : memref<1x125xi32, #tpu.memory_space<vmem>> -> memref<125xi32, #tpu.memory_space<vmem>>
      %dma_wait3A_198 = arith.constant 0 : i32
      %dma_wait3A_199 = arith.constant 0 : i32
      %dma_wait3A_200 = tpu.memref_slice %arg14[%dma_wait3A_198, %dma_wait3A_199] : memref<10000x64xf32, #tpu.memory_space<vmem_shared>> -> memref<10000x64xf32, #tpu.memory_space<vmem_shared>>
      tpu.wait_indirect_dma semaphore(%arg20 : memref<!tpu.dma_semaphore, #tpu.memory_space<semaphore_mem>>) src(%dma_wait3A_194 : memref<125x64xf32, #tpu.memory_space<vmem>>) dst(%dma_wait3A_200 : memref<10000x64xf32, #tpu.memory_space<vmem_shared>>)
      %add3A_201 = arith.constant 2 : i32
      %add3A_202 = arith.addi %add3A_167, %add3A_201 : i32
      %lt3A_203 = arith.constant 160 : i32
      %lt3A_204 = arith.cmpi slt, %add3A_202, %lt3A_203 : i32
      %convert_element_type3A_205 = arith.extui %lt3A_204 : i1 to i32
      %cond3A_206 = arith.constant 0 : i32
      %cond3A_207 = arith.cmpi ne, %convert_element_type3A_205, %cond3A_206 : i32
      scf.if %cond3A_207 {
        %add3A_297 = arith.constant 2 : i32
        %add3A_298 = arith.addi %add3A_167, %add3A_297 : i32
        %dma_start3A_299 = arith.constant 1 : i32
        %dma_start3A_300 = arith.constant 0 : i32
        %dma_start3A_301 = arith.constant 0 : i32
        %dma_start3A_302 = tpu.memref_slice %arg12[%dma_start3A_299, %dma_start3A_300, %dma_start3A_301] : memref<2x125x64xf32, #tpu.memory_space<vmem>> -> memref<1x125x64xf32, #tpu.memory_space<vmem>>
        %dma_start3A_303 = tpu.memref_squeeze %dma_start3A_302 : memref<1x125x64xf32, #tpu.memory_space<vmem>> -> memref<125x64xf32, #tpu.memory_space<vmem>>
        %dma_start3A_304 = arith.constant 0 : i32
        %dma_start3A_305 = tpu.memref_slice %arg9[%add3A_298, %dma_start3A_304] : memref<160x125xi32, #tpu.memory_space<vmem>> -> memref<1x125xi32, #tpu.memory_space<vmem>>
        %dma_start3A_306 = tpu.memref_squeeze %dma_start3A_305 : memref<1x125xi32, #tpu.memory_space<vmem>> -> memref<125xi32, #tpu.memory_space<vmem>>
        %dma_start3A_307 = arith.constant 0 : i32
        %dma_start3A_308 = arith.constant 0 : i32
        %dma_start3A_309 = tpu.memref_slice %arg2[%dma_start3A_307, %dma_start3A_308] : memref<20000x64xf32, #tpu.memory_space<hbm>> -> memref<20000x64xf32, #tpu.memory_space<hbm>>
        tpu.enqueue_indirect_dma source(%dma_start3A_309 : memref<20000x64xf32, #tpu.memory_space<hbm>>) target(%dma_start3A_303 : memref<125x64xf32, #tpu.memory_space<vmem>>) offsets(%dma_start3A_306 : memref<125xi32, #tpu.memory_space<vmem>>) semaphore(%arg16 : memref<!tpu.dma_semaphore, #tpu.memory_space<semaphore_mem>>)
      } else {
      }
      %mul3A_208 = arith.constant 4 : i32
      %mul3A_209 = arith.muli %scan3A_119, %mul3A_208 : i32
      %add3A_210 = arith.constant 2 : i32
      %add3A_211 = arith.addi %mul3A_209, %add3A_210 : i32
      %dma_wait3A_212 = arith.constant 0 : i32
      %dma_wait3A_213 = arith.constant 0 : i32
      %dma_wait3A_214 = arith.constant 0 : i32
      %dma_wait3A_215 = tpu.memref_slice %arg12[%dma_wait3A_212, %dma_wait3A_213, %dma_wait3A_214] : memref<2x125x64xf32, #tpu.memory_space<vmem>> -> memref<1x125x64xf32, #tpu.memory_space<vmem>>
      %dma_wait3A_216 = tpu.memref_squeeze %dma_wait3A_215 : memref<1x125x64xf32, #tpu.memory_space<vmem>> -> memref<125x64xf32, #tpu.memory_space<vmem>>
      %dma_wait3A_217 = arith.constant 0 : i32
      %dma_wait3A_218 = tpu.memref_slice %arg9[%add3A_211, %dma_wait3A_217] : memref<160x125xi32, #tpu.memory_space<vmem>> -> memref<1x125xi32, #tpu.memory_space<vmem>>
      %dma_wait3A_219 = tpu.memref_squeeze %dma_wait3A_218 : memref<1x125xi32, #tpu.memory_space<vmem>> -> memref<125xi32, #tpu.memory_space<vmem>>
      %dma_wait3A_220 = arith.constant 0 : i32
      %dma_wait3A_221 = arith.constant 0 : i32
      %dma_wait3A_222 = tpu.memref_slice %arg2[%dma_wait3A_220, %dma_wait3A_221] : memref<20000x64xf32, #tpu.memory_space<hbm>> -> memref<20000x64xf32, #tpu.memory_space<hbm>>
      tpu.wait_indirect_dma semaphore(%arg15 : memref<!tpu.dma_semaphore, #tpu.memory_space<semaphore_mem>>) src(%dma_wait3A_222 : memref<20000x64xf32, #tpu.memory_space<hbm>>) dst(%dma_wait3A_216 : memref<125x64xf32, #tpu.memory_space<vmem>>)
      %dma_start3A_223 = arith.constant 0 : i32
      %dma_start3A_224 = arith.constant 0 : i32
      %dma_start3A_225 = arith.constant 0 : i32
      %dma_start3A_226 = tpu.memref_slice %arg12[%dma_start3A_223, %dma_start3A_224, %dma_start3A_225] : memref<2x125x64xf32, #tpu.memory_space<vmem>> -> memref<1x125x64xf32, #tpu.memory_space<vmem>>
      %dma_start3A_227 = tpu.memref_squeeze %dma_start3A_226 : memref<1x125x64xf32, #tpu.memory_space<vmem>> -> memref<125x64xf32, #tpu.memory_space<vmem>>
      %dma_start3A_228 = arith.constant 0 : i32
      %dma_start3A_229 = tpu.memref_slice %arg10[%add3A_211, %dma_start3A_228] : memref<160x125xi32, #tpu.memory_space<vmem>> -> memref<1x125xi32, #tpu.memory_space<vmem>>
      %dma_start3A_230 = tpu.memref_squeeze %dma_start3A_229 : memref<1x125xi32, #tpu.memory_space<vmem>> -> memref<125xi32, #tpu.memory_space<vmem>>
      %dma_start3A_231 = arith.constant 0 : i32
      %dma_start3A_232 = arith.constant 0 : i32
      %dma_start3A_233 = tpu.memref_slice %arg14[%dma_start3A_231, %dma_start3A_232] : memref<10000x64xf32, #tpu.memory_space<vmem_shared>> -> memref<10000x64xf32, #tpu.memory_space<vmem_shared>>
      tpu.enqueue_indirect_dma source(%dma_start3A_227 : memref<125x64xf32, #tpu.memory_space<vmem>>) target(%dma_start3A_233 : memref<10000x64xf32, #tpu.memory_space<vmem_shared>>) offsets(%dma_start3A_230 : memref<125xi32, #tpu.memory_space<vmem>>) semaphore(%arg19 : memref<!tpu.dma_semaphore, #tpu.memory_space<semaphore_mem>>) {add = true}
      %dma_wait3A_234 = arith.constant 0 : i32
      %dma_wait3A_235 = arith.constant 0 : i32
      %dma_wait3A_236 = arith.constant 0 : i32
      %dma_wait3A_237 = tpu.memref_slice %arg12[%dma_wait3A_234, %dma_wait3A_235, %dma_wait3A_236] : memref<2x125x64xf32, #tpu.memory_space<vmem>> -> memref<1x125x64xf32, #tpu.memory_space<vmem>>
      %dma_wait3A_238 = tpu.memref_squeeze %dma_wait3A_237 : memref<1x125x64xf32, #tpu.memory_space<vmem>> -> memref<125x64xf32, #tpu.memory_space<vmem>>
      %dma_wait3A_239 = arith.constant 0 : i32
      %dma_wait3A_240 = tpu.memref_slice %arg10[%add3A_211, %dma_wait3A_239] : memref<160x125xi32, #tpu.memory_space<vmem>> -> memref<1x125xi32, #tpu.memory_space<vmem>>
      %dma_wait3A_241 = tpu.memref_squeeze %dma_wait3A_240 : memref<1x125xi32, #tpu.memory_space<vmem>> -> memref<125xi32, #tpu.memory_space<vmem>>
      %dma_wait3A_242 = arith.constant 0 : i32
      %dma_wait3A_243 = arith.constant 0 : i32
      %dma_wait3A_244 = tpu.memref_slice %arg14[%dma_wait3A_242, %dma_wait3A_243] : memref<10000x64xf32, #tpu.memory_space<vmem_shared>> -> memref<10000x64xf32, #tpu.memory_space<vmem_shared>>
      tpu.wait_indirect_dma semaphore(%arg19 : memref<!tpu.dma_semaphore, #tpu.memory_space<semaphore_mem>>) src(%dma_wait3A_238 : memref<125x64xf32, #tpu.memory_space<vmem>>) dst(%dma_wait3A_244 : memref<10000x64xf32, #tpu.memory_space<vmem_shared>>)
      %add3A_245 = arith.constant 2 : i32
      %add3A_246 = arith.addi %add3A_211, %add3A_245 : i32
      %lt3A_247 = arith.constant 160 : i32
      %lt3A_248 = arith.cmpi slt, %add3A_246, %lt3A_247 : i32
      %convert_element_type3A_249 = arith.extui %lt3A_248 : i1 to i32
      %cond3A_250 = arith.constant 0 : i32
      %cond3A_251 = arith.cmpi ne, %convert_element_type3A_249, %cond3A_250 : i32
      scf.if %cond3A_251 {
        %add3A_297 = arith.constant 2 : i32
        %add3A_298 = arith.addi %add3A_211, %add3A_297 : i32
        %dma_start3A_299 = arith.constant 0 : i32
        %dma_start3A_300 = arith.constant 0 : i32
        %dma_start3A_301 = arith.constant 0 : i32
        %dma_start3A_302 = tpu.memref_slice %arg12[%dma_start3A_299, %dma_start3A_300, %dma_start3A_301] : memref<2x125x64xf32, #tpu.memory_space<vmem>> -> memref<1x125x64xf32, #tpu.memory_space<vmem>>
        %dma_start3A_303 = tpu.memref_squeeze %dma_start3A_302 : memref<1x125x64xf32, #tpu.memory_space<vmem>> -> memref<125x64xf32, #tpu.memory_space<vmem>>
        %dma_start3A_304 = arith.constant 0 : i32
        %dma_start3A_305 = tpu.memref_slice %arg9[%add3A_298, %dma_start3A_304] : memref<160x125xi32, #tpu.memory_space<vmem>> -> memref<1x125xi32, #tpu.memory_space<vmem>>
        %dma_start3A_306 = tpu.memref_squeeze %dma_start3A_305 : memref<1x125xi32, #tpu.memory_space<vmem>> -> memref<125xi32, #tpu.memory_space<vmem>>
        %dma_start3A_307 = arith.constant 0 : i32
        %dma_start3A_308 = arith.constant 0 : i32
        %dma_start3A_309 = tpu.memref_slice %arg2[%dma_start3A_307, %dma_start3A_308] : memref<20000x64xf32, #tpu.memory_space<hbm>> -> memref<20000x64xf32, #tpu.memory_space<hbm>>
        tpu.enqueue_indirect_dma source(%dma_start3A_309 : memref<20000x64xf32, #tpu.memory_space<hbm>>) target(%dma_start3A_303 : memref<125x64xf32, #tpu.memory_space<vmem>>) offsets(%dma_start3A_306 : memref<125xi32, #tpu.memory_space<vmem>>) semaphore(%arg15 : memref<!tpu.dma_semaphore, #tpu.memory_space<semaphore_mem>>)
      } else {
      }
      %mul3A_252 = arith.constant 4 : i32
      %mul3A_253 = arith.muli %scan3A_119, %mul3A_252 : i32
      %add3A_254 = arith.constant 3 : i32
      %add3A_255 = arith.addi %mul3A_253, %add3A_254 : i32
      %dma_wait3A_256 = arith.constant 1 : i32
      %dma_wait3A_257 = arith.constant 0 : i32
      %dma_wait3A_258 = arith.constant 0 : i32
      %dma_wait3A_259 = tpu.memref_slice %arg12[%dma_wait3A_256, %dma_wait3A_257, %dma_wait3A_258] : memref<2x125x64xf32, #tpu.memory_space<vmem>> -> memref<1x125x64xf32, #tpu.memory_space<vmem>>
      %dma_wait3A_260 = tpu.memref_squeeze %dma_wait3A_259 : memref<1x125x64xf32, #tpu.memory_space<vmem>> -> memref<125x64xf32, #tpu.memory_space<vmem>>
      %dma_wait3A_261 = arith.constant 0 : i32
      %dma_wait3A_262 = tpu.memref_slice %arg9[%add3A_255, %dma_wait3A_261] : memref<160x125xi32, #tpu.memory_space<vmem>> -> memref<1x125xi32, #tpu.memory_space<vmem>>
      %dma_wait3A_263 = tpu.memref_squeeze %dma_wait3A_262 : memref<1x125xi32, #tpu.memory_space<vmem>> -> memref<125xi32, #tpu.memory_space<vmem>>
      %dma_wait3A_264 = arith.constant 0 : i32
      %dma_wait3A_265 = arith.constant 0 : i32
      %dma_wait3A_266 = tpu.memref_slice %arg2[%dma_wait3A_264, %dma_wait3A_265] : memref<20000x64xf32, #tpu.memory_space<hbm>> -> memref<20000x64xf32, #tpu.memory_space<hbm>>
      tpu.wait_indirect_dma semaphore(%arg16 : memref<!tpu.dma_semaphore, #tpu.memory_space<semaphore_mem>>) src(%dma_wait3A_266 : memref<20000x64xf32, #tpu.memory_space<hbm>>) dst(%dma_wait3A_260 : memref<125x64xf32, #tpu.memory_space<vmem>>)
      %dma_start3A_267 = arith.constant 1 : i32
      %dma_start3A_268 = arith.constant 0 : i32
      %dma_start3A_269 = arith.constant 0 : i32
      %dma_start3A_270 = tpu.memref_slice %arg12[%dma_start3A_267, %dma_start3A_268, %dma_start3A_269] : memref<2x125x64xf32, #tpu.memory_space<vmem>> -> memref<1x125x64xf32, #tpu.memory_space<vmem>>
      %dma_start3A_271 = tpu.memref_squeeze %dma_start3A_270 : memref<1x125x64xf32, #tpu.memory_space<vmem>> -> memref<125x64xf32, #tpu.memory_space<vmem>>
      %dma_start3A_272 = arith.constant 0 : i32
      %dma_start3A_273 = tpu.memref_slice %arg10[%add3A_255, %dma_start3A_272] : memref<160x125xi32, #tpu.memory_space<vmem>> -> memref<1x125xi32, #tpu.memory_space<vmem>>
      %dma_start3A_274 = tpu.memref_squeeze %dma_start3A_273 : memref<1x125xi32, #tpu.memory_space<vmem>> -> memref<125xi32, #tpu.memory_space<vmem>>
      %dma_start3A_275 = arith.constant 0 : i32
      %dma_start3A_276 = arith.constant 0 : i32
      %dma_start3A_277 = tpu.memref_slice %arg14[%dma_start3A_275, %dma_start3A_276] : memref<10000x64xf32, #tpu.memory_space<vmem_shared>> -> memref<10000x64xf32, #tpu.memory_space<vmem_shared>>
      tpu.enqueue_indirect_dma source(%dma_start3A_271 : memref<125x64xf32, #tpu.memory_space<vmem>>) target(%dma_start3A_277 : memref<10000x64xf32, #tpu.memory_space<vmem_shared>>) offsets(%dma_start3A_274 : memref<125xi32, #tpu.memory_space<vmem>>) semaphore(%arg20 : memref<!tpu.dma_semaphore, #tpu.memory_space<semaphore_mem>>) {add = true}
      %dma_wait3A_278 = arith.constant 1 : i32
      %dma_wait3A_279 = arith.constant 0 : i32
      %dma_wait3A_280 = arith.constant 0 : i32
      %dma_wait3A_281 = tpu.memref_slice %arg12[%dma_wait3A_278, %dma_wait3A_279, %dma_wait3A_280] : memref<2x125x64xf32, #tpu.memory_space<vmem>> -> memref<1x125x64xf32, #tpu.memory_space<vmem>>
      %dma_wait3A_282 = tpu.memref_squeeze %dma_wait3A_281 : memref<1x125x64xf32, #tpu.memory_space<vmem>> -> memref<125x64xf32, #tpu.memory_space<vmem>>
      %dma_wait3A_283 = arith.constant 0 : i32
      %dma_wait3A_284 = tpu.memref_slice %arg10[%add3A_255, %dma_wait3A_283] : memref<160x125xi32, #tpu.memory_space<vmem>> -> memref<1x125xi32, #tpu.memory_space<vmem>>
      %dma_wait3A_285 = tpu.memref_squeeze %dma_wait3A_284 : memref<1x125xi32, #tpu.memory_space<vmem>> -> memref<125xi32, #tpu.memory_space<vmem>>
      %dma_wait3A_286 = arith.constant 0 : i32
      %dma_wait3A_287 = arith.constant 0 : i32
      %dma_wait3A_288 = tpu.memref_slice %arg14[%dma_wait3A_286, %dma_wait3A_287] : memref<10000x64xf32, #tpu.memory_space<vmem_shared>> -> memref<10000x64xf32, #tpu.memory_space<vmem_shared>>
      tpu.wait_indirect_dma semaphore(%arg20 : memref<!tpu.dma_semaphore, #tpu.memory_space<semaphore_mem>>) src(%dma_wait3A_282 : memref<125x64xf32, #tpu.memory_space<vmem>>) dst(%dma_wait3A_288 : memref<10000x64xf32, #tpu.memory_space<vmem_shared>>)
      %add3A_289 = arith.constant 2 : i32
      %add3A_290 = arith.addi %add3A_255, %add3A_289 : i32
      %lt3A_291 = arith.constant 160 : i32
      %lt3A_292 = arith.cmpi slt, %add3A_290, %lt3A_291 : i32
      %convert_element_type3A_293 = arith.extui %lt3A_292 : i1 to i32
      %cond3A_294 = arith.constant 0 : i32
      %cond3A_295 = arith.cmpi ne, %convert_element_type3A_293, %cond3A_294 : i32
      scf.if %cond3A_295 {
        %add3A_297 = arith.constant 2 : i32
        %add3A_298 = arith.addi %add3A_255, %add3A_297 : i32
        %dma_start3A_299 = arith.constant 1 : i32
        %dma_start3A_300 = arith.constant 0 : i32
        %dma_start3A_301 = arith.constant 0 : i32
        %dma_start3A_302 = tpu.memref_slice %arg12[%dma_start3A_299, %dma_start3A_300, %dma_start3A_301] : memref<2x125x64xf32, #tpu.memory_space<vmem>> -> memref<1x125x64xf32, #tpu.memory_space<vmem>>
        %dma_start3A_303 = tpu.memref_squeeze %dma_start3A_302 : memref<1x125x64xf32, #tpu.memory_space<vmem>> -> memref<125x64xf32, #tpu.memory_space<vmem>>
        %dma_start3A_304 = arith.constant 0 : i32
        %dma_start3A_305 = tpu.memref_slice %arg9[%add3A_298, %dma_start3A_304] : memref<160x125xi32, #tpu.memory_space<vmem>> -> memref<1x125xi32, #tpu.memory_space<vmem>>
        %dma_start3A_306 = tpu.memref_squeeze %dma_start3A_305 : memref<1x125xi32, #tpu.memory_space<vmem>> -> memref<125xi32, #tpu.memory_space<vmem>>
        %dma_start3A_307 = arith.constant 0 : i32
        %dma_start3A_308 = arith.constant 0 : i32
        %dma_start3A_309 = tpu.memref_slice %arg2[%dma_start3A_307, %dma_start3A_308] : memref<20000x64xf32, #tpu.memory_space<hbm>> -> memref<20000x64xf32, #tpu.memory_space<hbm>>
        tpu.enqueue_indirect_dma source(%dma_start3A_309 : memref<20000x64xf32, #tpu.memory_space<hbm>>) target(%dma_start3A_303 : memref<125x64xf32, #tpu.memory_space<vmem>>) offsets(%dma_start3A_306 : memref<125xi32, #tpu.memory_space<vmem>>) semaphore(%arg16 : memref<!tpu.dma_semaphore, #tpu.memory_space<semaphore_mem>>)
      } else {
      }
      %scan3A_296 = arith.constant 0 : i32
      scf.yield %scan3A_296 : i32
    }
    %scan3A_90 = arith.constant 40 : i32
    %scan3A_91 = arith.constant 0 : i32
    %scan3A_92 = arith.constant 0 : i32
    %scan3A_93 = arith.constant 625 : i32
    %scan3A_94 = arith.addi %scan3A_92, %scan3A_93 : i32
    %scan3A_95 = arith.constant 1 : i32
    %scan3A_96 = scf.for %scan3A_119 = %scan3A_92 to %scan3A_94 step %scan3A_95 iter_args(%scan3A_120 = %scan3A_91) -> (i32)  : i32 {
      %mul3A_121 = arith.constant 16 : i32
      %mul3A_122 = arith.muli %scan3A_119, %mul3A_121 : i32
      %get3A = arith.index_cast %mul3A_122 : i32 to index
      %get3A_123 = tpu.vector_load %arg11[%get3A] {strides = array<i32>} : memref<10000xi32, #tpu.memory_space<vmem>>, vector<16xi32>,
      tpu.vector_store_idx %arg13[%get3A_123], %broadcast_in_dim3A_7 {add = true} : memref<10000xf32, #tpu.memory_space<vmem>>[vector<16xi32>], vector<16xf32>,
      %scan3A_124 = arith.constant 0 : i32
      scf.yield %scan3A_124 : i32
    }
    %scan3A_97 = arith.constant 625 : i32
    %barrier3A_98 = arith.constant 0 : index
    tpu.barrier barrier_id(%barrier3A_98)
    %add3A_99 = arith.constant 0 : i32
    %add3A_100 = arith.addi %mul3A_4, %add3A_99 : i32
    %add3A_101 = arith.constant 0 : i32
    %add3A_102 = arith.addi %mul3A_4, %add3A_101 : i32
    "tpu.region"() ({
      %run_scoped3A_119 = tpu.sem_alloc : memref<!tpu.dma_semaphore, #tpu.memory_space<semaphore_mem>>
      %dma_start3A_120 = arith.constant 0 : i32
      %dma_start3A_121 = tpu.memref_slice %arg7[%arg0, %add3A_102, %dma_start3A_120] : memref<2x10000x64xf32, #tpu.memory_space<hbm>> -> memref<1x125x64xf32, #tpu.memory_space<hbm>>
      %dma_start3A_122 = tpu.memref_squeeze %dma_start3A_121 : memref<1x125x64xf32, #tpu.memory_space<hbm>> -> memref<125x64xf32, #tpu.memory_space<hbm>>
      %dma_start3A_123 = arith.constant 0 : i32
      %dma_start3A_124 = tpu.memref_slice %arg14[%add3A_100, %dma_start3A_123] : memref<10000x64xf32, #tpu.memory_space<vmem_shared>> -> memref<125x64xf32, #tpu.memory_space<vmem_shared>>
      tpu.enqueue_dma source(%dma_start3A_124 : memref<125x64xf32, #tpu.memory_space<vmem_shared>>) target(%dma_start3A_122 : memref<125x64xf32, #tpu.memory_space<hbm>>) target_semaphore(%run_scoped3A_119 : memref<!tpu.dma_semaphore, #tpu.memory_space<semaphore_mem>>)
      %dma_wait3A_125 = arith.constant 0 : i32
      %dma_wait3A_126 = tpu.memref_slice %arg7[%arg0, %add3A_102, %dma_wait3A_125] : memref<2x10000x64xf32, #tpu.memory_space<hbm>> -> memref<1x125x64xf32, #tpu.memory_space<hbm>>
      %dma_wait3A_127 = tpu.memref_squeeze %dma_wait3A_126 : memref<1x125x64xf32, #tpu.memory_space<hbm>> -> memref<125x64xf32, #tpu.memory_space<hbm>>
      %dma_wait3A_128 = arith.constant 0 : i32
      %dma_wait3A_129 = tpu.memref_slice %arg14[%add3A_100, %dma_wait3A_128] : memref<10000x64xf32, #tpu.memory_space<vmem_shared>> -> memref<125x64xf32, #tpu.memory_space<vmem_shared>>
      tpu.wait_dma2 semaphore(%run_scoped3A_119 : memref<!tpu.dma_semaphore, #tpu.memory_space<semaphore_mem>>) src(%dma_wait3A_129 : memref<125x64xf32, #tpu.memory_space<vmem_shared>>) dst(%dma_wait3A_127 : memref<125x64xf32, #tpu.memory_space<hbm>>)
      tpu.yield
    }) : () -> ()
    %add3A_103 = arith.constant 125 : i32
    %add3A_104 = arith.addi %mul3A_4, %add3A_103 : i32
    %add3A_105 = arith.constant 125 : i32
    %add3A_106 = arith.addi %mul3A_4, %add3A_105 : i32
    "tpu.region"() ({
      %run_scoped3A_119 = tpu.sem_alloc : memref<!tpu.dma_semaphore, #tpu.memory_space<semaphore_mem>>
      %dma_start3A_120 = arith.constant 0 : i32
      %dma_start3A_121 = tpu.memref_slice %arg7[%arg0, %add3A_106, %dma_start3A_120] : memref<2x10000x64xf32, #tpu.memory_space<hbm>> -> memref<1x125x64xf32, #tpu.memory_space<hbm>>
      %dma_start3A_122 = tpu.memref_squeeze %dma_start3A_121 : memref<1x125x64xf32, #tpu.memory_space<hbm>> -> memref<125x64xf32, #tpu.memory_space<hbm>>
      %dma_start3A_123 = arith.constant 0 : i32
      %dma_start3A_124 = tpu.memref_slice %arg14[%add3A_104, %dma_start3A_123] : memref<10000x64xf32, #tpu.memory_space<vmem_shared>> -> memref<125x64xf32, #tpu.memory_space<vmem_shared>>
      tpu.enqueue_dma source(%dma_start3A_124 : memref<125x64xf32, #tpu.memory_space<vmem_shared>>) target(%dma_start3A_122 : memref<125x64xf32, #tpu.memory_space<hbm>>) target_semaphore(%run_scoped3A_119 : memref<!tpu.dma_semaphore, #tpu.memory_space<semaphore_mem>>)
      %dma_wait3A_125 = arith.constant 0 : i32
      %dma_wait3A_126 = tpu.memref_slice %arg7[%arg0, %add3A_106, %dma_wait3A_125] : memref<2x10000x64xf32, #tpu.memory_space<hbm>> -> memref<1x125x64xf32, #tpu.memory_space<hbm>>
      %dma_wait3A_127 = tpu.memref_squeeze %dma_wait3A_126 : memref<1x125x64xf32, #tpu.memory_space<hbm>> -> memref<125x64xf32, #tpu.memory_space<hbm>>
      %dma_wait3A_128 = arith.constant 0 : i32
      %dma_wait3A_129 = tpu.memref_slice %arg14[%add3A_104, %dma_wait3A_128] : memref<10000x64xf32, #tpu.memory_space<vmem_shared>> -> memref<125x64xf32, #tpu.memory_space<vmem_shared>>
      tpu.wait_dma2 semaphore(%run_scoped3A_119 : memref<!tpu.dma_semaphore, #tpu.memory_space<semaphore_mem>>) src(%dma_wait3A_129 : memref<125x64xf32, #tpu.memory_space<vmem_shared>>) dst(%dma_wait3A_127 : memref<125x64xf32, #tpu.memory_space<hbm>>)
      tpu.yield
    }) : () -> ()
    %add3A_107 = arith.constant 250 : i32
    %add3A_108 = arith.addi %mul3A_4, %add3A_107 : i32
    %add3A_109 = arith.constant 250 : i32
    %add3A_110 = arith.addi %mul3A_4, %add3A_109 : i32
    "tpu.region"() ({
      %run_scoped3A_119 = tpu.sem_alloc : memref<!tpu.dma_semaphore, #tpu.memory_space<semaphore_mem>>
      %dma_start3A_120 = arith.constant 0 : i32
      %dma_start3A_121 = tpu.memref_slice %arg7[%arg0, %add3A_110, %dma_start3A_120] : memref<2x10000x64xf32, #tpu.memory_space<hbm>> -> memref<1x125x64xf32, #tpu.memory_space<hbm>>
      %dma_start3A_122 = tpu.memref_squeeze %dma_start3A_121 : memref<1x125x64xf32, #tpu.memory_space<hbm>> -> memref<125x64xf32, #tpu.memory_space<hbm>>
      %dma_start3A_123 = arith.constant 0 : i32
      %dma_start3A_124 = tpu.memref_slice %arg14[%add3A_108, %dma_start3A_123] : memref<10000x64xf32, #tpu.memory_space<vmem_shared>> -> memref<125x64xf32, #tpu.memory_space<vmem_shared>>
      tpu.enqueue_dma source(%dma_start3A_124 : memref<125x64xf32, #tpu.memory_space<vmem_shared>>) target(%dma_start3A_122 : memref<125x64xf32, #tpu.memory_space<hbm>>) target_semaphore(%run_scoped3A_119 : memref<!tpu.dma_semaphore, #tpu.memory_space<semaphore_mem>>)
      %dma_wait3A_125 = arith.constant 0 : i32
      %dma_wait3A_126 = tpu.memref_slice %arg7[%arg0, %add3A_110, %dma_wait3A_125] : memref<2x10000x64xf32, #tpu.memory_space<hbm>> -> memref<1x125x64xf32, #tpu.memory_space<hbm>>
      %dma_wait3A_127 = tpu.memref_squeeze %dma_wait3A_126 : memref<1x125x64xf32, #tpu.memory_space<hbm>> -> memref<125x64xf32, #tpu.memory_space<hbm>>
      %dma_wait3A_128 = arith.constant 0 : i32
      %dma_wait3A_129 = tpu.memref_slice %arg14[%add3A_108, %dma_wait3A_128] : memref<10000x64xf32, #tpu.memory_space<vmem_shared>> -> memref<125x64xf32, #tpu.memory_space<vmem_shared>>
      tpu.wait_dma2 semaphore(%run_scoped3A_119 : memref<!tpu.dma_semaphore, #tpu.memory_space<semaphore_mem>>) src(%dma_wait3A_129 : memref<125x64xf32, #tpu.memory_space<vmem_shared>>) dst(%dma_wait3A_127 : memref<125x64xf32, #tpu.memory_space<hbm>>)
      tpu.yield
    }) : () -> ()
    %add3A_111 = arith.constant 375 : i32
    %add3A_112 = arith.addi %mul3A_4, %add3A_111 : i32
    %add3A_113 = arith.constant 375 : i32
    %add3A_114 = arith.addi %mul3A_4, %add3A_113 : i32
    "tpu.region"() ({
      %run_scoped3A_119 = tpu.sem_alloc : memref<!tpu.dma_semaphore, #tpu.memory_space<semaphore_mem>>
      %dma_start3A_120 = arith.constant 0 : i32
      %dma_start3A_121 = tpu.memref_slice %arg7[%arg0, %add3A_114, %dma_start3A_120] : memref<2x10000x64xf32, #tpu.memory_space<hbm>> -> memref<1x125x64xf32, #tpu.memory_space<hbm>>
      %dma_start3A_122 = tpu.memref_squeeze %dma_start3A_121 : memref<1x125x64xf32, #tpu.memory_space<hbm>> -> memref<125x64xf32, #tpu.memory_space<hbm>>
      %dma_start3A_123 = arith.constant 0 : i32
      %dma_start3A_124 = tpu.memref_slice %arg14[%add3A_112, %dma_start3A_123] : memref<10000x64xf32, #tpu.memory_space<vmem_shared>> -> memref<125x64xf32, #tpu.memory_space<vmem_shared>>
      tpu.enqueue_dma source(%dma_start3A_124 : memref<125x64xf32, #tpu.memory_space<vmem_shared>>) target(%dma_start3A_122 : memref<125x64xf32, #tpu.memory_space<hbm>>) target_semaphore(%run_scoped3A_119 : memref<!tpu.dma_semaphore, #tpu.memory_space<semaphore_mem>>)
      %dma_wait3A_125 = arith.constant 0 : i32
      %dma_wait3A_126 = tpu.memref_slice %arg7[%arg0, %add3A_114, %dma_wait3A_125] : memref<2x10000x64xf32, #tpu.memory_space<hbm>> -> memref<1x125x64xf32, #tpu.memory_space<hbm>>
      %dma_wait3A_127 = tpu.memref_squeeze %dma_wait3A_126 : memref<1x125x64xf32, #tpu.memory_space<hbm>> -> memref<125x64xf32, #tpu.memory_space<hbm>>
      %dma_wait3A_128 = arith.constant 0 : i32
      %dma_wait3A_129 = tpu.memref_slice %arg14[%add3A_112, %dma_wait3A_128] : memref<10000x64xf32, #tpu.memory_space<vmem_shared>> -> memref<125x64xf32, #tpu.memory_space<vmem_shared>>
      tpu.wait_dma2 semaphore(%run_scoped3A_119 : memref<!tpu.dma_semaphore, #tpu.memory_space<semaphore_mem>>) src(%dma_wait3A_129 : memref<125x64xf32, #tpu.memory_space<vmem_shared>>) dst(%dma_wait3A_127 : memref<125x64xf32, #tpu.memory_space<hbm>>)
      tpu.yield
    }) : () -> ()
    %add3A_115 = arith.constant 500 : i32
    %add3A_116 = arith.addi %mul3A_4, %add3A_115 : i32
    %add3A_117 = arith.constant 500 : i32
    %add3A_118 = arith.addi %mul3A_4, %add3A_117 : i32
    "tpu.region"() ({
      %run_scoped3A_119 = tpu.sem_alloc : memref<!tpu.dma_semaphore, #tpu.memory_space<semaphore_mem>>
      %dma_start3A_120 = arith.constant 0 : i32
      %dma_start3A_121 = tpu.memref_slice %arg7[%arg0, %add3A_118, %dma_start3A_120] : memref<2x10000x64xf32, #tpu.memory_space<hbm>> -> memref<1x125x64xf32, #tpu.memory_space<hbm>>
      %dma_start3A_122 = tpu.memref_squeeze %dma_start3A_121 : memref<1x125x64xf32, #tpu.memory_space<hbm>> -> memref<125x64xf32, #tpu.memory_space<hbm>>
      %dma_start3A_123 = arith.constant 0 : i32
      %dma_start3A_124 = tpu.memref_slice %arg14[%add3A_116, %dma_start3A_123] : memref<10000x64xf32, #tpu.memory_space<vmem_shared>> -> memref<125x64xf32, #tpu.memory_space<vmem_shared>>
      tpu.enqueue_dma source(%dma_start3A_124 : memref<125x64xf32, #tpu.memory_space<vmem_shared>>) target(%dma_start3A_122 : memref<125x64xf32, #tpu.memory_space<hbm>>) target_semaphore(%run_scoped3A_119 : memref<!tpu.dma_semaphore, #tpu.memory_space<semaphore_mem>>)
      %dma_wait3A_125 = arith.constant 0 : i32
      %dma_wait3A_126 = tpu.memref_slice %arg7[%arg0, %add3A_118, %dma_wait3A_125] : memref<2x10000x64xf32, #tpu.memory_space<hbm>> -> memref<1x125x64xf32, #tpu.memory_space<hbm>>
      %dma_wait3A_127 = tpu.memref_squeeze %dma_wait3A_126 : memref<1x125x64xf32, #tpu.memory_space<hbm>> -> memref<125x64xf32, #tpu.memory_space<hbm>>
      %dma_wait3A_128 = arith.constant 0 : i32
      %dma_wait3A_129 = tpu.memref_slice %arg14[%add3A_116, %dma_wait3A_128] : memref<10000x64xf32, #tpu.memory_space<vmem_shared>> -> memref<125x64xf32, #tpu.memory_space<vmem_shared>>
      tpu.wait_dma2 semaphore(%run_scoped3A_119 : memref<!tpu.dma_semaphore, #tpu.memory_space<semaphore_mem>>) src(%dma_wait3A_129 : memref<125x64xf32, #tpu.memory_space<vmem_shared>>) dst(%dma_wait3A_127 : memref<125x64xf32, #tpu.memory_space<hbm>>)
      tpu.yield
    }) : () -> ()
    "tpu.region"() ({
      %run_scoped3A_119 = tpu.sem_alloc : memref<!tpu.dma_semaphore, #tpu.memory_space<semaphore_mem>>
      %dma_start3A_120 = arith.constant 0 : i32
      %dma_start3A_121 = tpu.memref_slice %arg8[%add3A, %dma_start3A_120] : memref<32x10000xf32, #tpu.memory_space<hbm>> -> memref<1x10000xf32, #tpu.memory_space<hbm>>
      %dma_start3A_122 = tpu.memref_squeeze %dma_start3A_121 : memref<1x10000xf32, #tpu.memory_space<hbm>> -> memref<10000xf32, #tpu.memory_space<hbm>>
      %dma_start3A_123 = arith.constant 0 : i32
      %dma_start3A_124 = tpu.memref_slice %arg8[%add3A, %dma_start3A_123] : memref<32x10000xf32, #tpu.memory_space<hbm>> -> memref<1x10000xf32, #tpu.memory_space<hbm>>
      %dma_start3A_125 = tpu.memref_squeeze %dma_start3A_124 : memref<1x10000xf32, #tpu.memory_space<hbm>> -> memref<10000xf32, #tpu.memory_space<hbm>>
      tpu.enqueue_dma source(%arg13 : memref<10000xf32, #tpu.memory_space<vmem>>) target(%dma_start3A_125 : memref<10000xf32, #tpu.memory_space<hbm>>) target_semaphore(%run_scoped3A_119 : memref<!tpu.dma_semaphore, #tpu.memory_space<semaphore_mem>>)
      %dma_wait3A_126 = arith.constant 0 : i32
      %dma_wait3A_127 = tpu.memref_slice %arg8[%add3A, %dma_wait3A_126] : memref<32x10000xf32, #tpu.memory_space<hbm>> -> memref<1x10000xf32, #tpu.memory_space<hbm>>
      %dma_wait3A_128 = tpu.memref_squeeze %dma_wait3A_127 : memref<1x10000xf32, #tpu.memory_space<hbm>> -> memref<10000xf32, #tpu.memory_space<hbm>>
      %dma_wait3A_129 = arith.constant 0 : i32
      %dma_wait3A_130 = tpu.memref_slice %arg8[%add3A, %dma_wait3A_129] : memref<32x10000xf32, #tpu.memory_space<hbm>> -> memref<1x10000xf32, #tpu.memory_space<hbm>>
      %dma_wait3A_131 = tpu.memref_squeeze %dma_wait3A_130 : memref<1x10000xf32, #tpu.memory_space<hbm>> -> memref<10000xf32, #tpu.memory_space<hbm>>
      tpu.wait_dma2 semaphore(%run_scoped3A_119 : memref<!tpu.dma_semaphore, #tpu.memory_space<semaphore_mem>>) src(%arg13 : memref<10000xf32, #tpu.memory_space<vmem>>) dst(%dma_wait3A_131 : memref<10000xf32, #tpu.memory_space<hbm>>)
      tpu.yield
    }) : () -> ()
    return
  }
}

module attributes {stable_mosaic.version = 14 : i64} {
  func.func @_tc_body(%arg0: memref<2x10000x64xf32, #tpu.memory_space<vmem>>, %arg1: memref<32x10000xf32, #tpu.memory_space<vmem>>, %arg2: memref<10000x128xf32, #tpu.memory_space<vmem>>, %arg3: memref<128x128xf32, #tpu.memory_space<vmem>>, %arg4: memref<1x128xf32, #tpu.memory_space<vmem>>, %arg5: memref<1x128xf32, #tpu.memory_space<vmem>>, %arg6: memref<1x128xf32, #tpu.memory_space<vmem>>, %arg7: memref<10000x128xf32, #tpu.memory_space<vmem>>) attributes {dimension_semantics = [], scalar_prefetch = 0 : i64, scratch_operands = 0 : i64, tpu.core_type = #tpu.core_type<tc>} {
    %get3A = arith.constant 0 : index
    %get3A_0 = arith.constant 0 : index
    %get3A_1 = arith.constant 0 : index
    %get3A_2 = vector.load %arg0[%get3A, %get3A_0, %get3A_1] : memref<2x10000x64xf32, #tpu.memory_space<vmem>>, vector<1x10000x64xf32>
    %get3A_3 = vector.shape_cast %get3A_2 : vector<1x10000x64xf32> to vector<10000x64xf32>
    %get3A_4 = arith.constant 1 : index
    %get3A_5 = arith.constant 0 : index
    %get3A_6 = arith.constant 0 : index
    %get3A_7 = vector.load %arg0[%get3A_4, %get3A_5, %get3A_6] : memref<2x10000x64xf32, #tpu.memory_space<vmem>>, vector<1x10000x64xf32>
    %get3A_8 = vector.shape_cast %get3A_7 : vector<1x10000x64xf32> to vector<10000x64xf32>
    %concatenate3A = tpu.concatenate %get3A_3, %get3A_8 in 1 : vector<10000x64xf32>, vector<10000x64xf32> -> vector<10000x128xf32>
    %get3A_9 = arith.constant 0 : index
    %get3A_10 = arith.constant 0 : index
    %get3A_11 = vector.load %arg1[%get3A_9, %get3A_10] : memref<32x10000xf32, #tpu.memory_space<vmem>>, vector<32x10000xf32>
    %reduce_sum3A = arith.constant dense<0.000000e+00> : vector<10000xf32>
    %reduce_sum3A_12 = vector.multi_reduction <add>, %get3A_11, %reduce_sum3A [0] : vector<32x10000xf32> to vector<10000xf32>
    %broadcast_in_dim3A = vector.shape_cast %reduce_sum3A_12 : vector<10000xf32> to vector<10000x1xf32>
    %max3A = arith.constant 1.000000e+00 : f32
    %max3A_13 = vector.broadcast %max3A : f32 to vector<10000x1xf32>
    %max3A_14 = arith.maximumf %broadcast_in_dim3A, %max3A_13 : vector<10000x1xf32>
    %div3A = vector.broadcast %max3A_14 : vector<10000x1xf32> to vector<10000x128xf32>
    %div3A_15 = arith.divf %concatenate3A, %div3A : vector<10000x128xf32>
    %get3A_16 = arith.constant 0 : index
    %get3A_17 = arith.constant 0 : index
    %get3A_18 = vector.load %arg3[%get3A_16, %get3A_17] : memref<128x128xf32, #tpu.memory_space<vmem>>, vector<128x128xf32>
    %dot_general3A = arith.constant dense<0.000000e+00> : vector<10000x128xf32>
    %dot_general3A_19 = tpu.matmul %div3A_15, %get3A_18, %dot_general3A {dimension_numbers = #tpu.dot_dimension_numbers<[1], [0], [0], [1], [0, 0, 1, 1], [], []>, precision = #tpu.contract_precision<fp32>, transpose_lhs_hint = false} : vector<10000x128xf32>, vector<128x128xf32>, vector<10000x128xf32> -> vector<10000x128xf32>
    %get3A_20 = arith.constant 0 : index
    %get3A_21 = arith.constant 0 : index
    %get3A_22 = vector.load %arg4[%get3A_20, %get3A_21] : memref<1x128xf32, #tpu.memory_space<vmem>>, vector<1x128xf32>
    %add3A = vector.broadcast %get3A_22 : vector<1x128xf32> to vector<10000x128xf32>
    %add3A_23 = arith.addf %dot_general3A_19, %add3A : vector<10000x128xf32>
    %get3A_24 = arith.constant 0 : index
    %get3A_25 = arith.constant 0 : index
    %get3A_26 = vector.load %arg2[%get3A_24, %get3A_25] : memref<10000x128xf32, #tpu.memory_space<vmem>>, vector<10000x128xf32>
    %add3A_27 = arith.addf %add3A_23, %get3A_26 : vector<10000x128xf32>
    %reduce_sum3A_28 = arith.constant dense<0.000000e+00> : vector<10000xf32>
    %reduce_sum3A_29 = vector.multi_reduction <add>, %add3A_27, %reduce_sum3A_28 [1] : vector<10000x128xf32> to vector<10000xf32>
    %broadcast_in_dim3A_30 = vector.shape_cast %reduce_sum3A_29 : vector<10000xf32> to vector<10000x1xf32>
    %div3A_31 = arith.constant 1.280000e+02 : f32
    %div3A_32 = vector.broadcast %div3A_31 : f32 to vector<10000x1xf32>
    %div3A_33 = arith.divf %broadcast_in_dim3A_30, %div3A_32 : vector<10000x1xf32>
    %sub3A = vector.broadcast %div3A_33 : vector<10000x1xf32> to vector<10000x128xf32>
    %sub3A_34 = arith.subf %add3A_27, %sub3A : vector<10000x128xf32>
    %mul3A = arith.mulf %sub3A_34, %sub3A_34 : vector<10000x128xf32>
    %reduce_sum3A_35 = arith.constant dense<0.000000e+00> : vector<10000xf32>
    %reduce_sum3A_36 = vector.multi_reduction <add>, %mul3A, %reduce_sum3A_35 [1] : vector<10000x128xf32> to vector<10000xf32>
    %broadcast_in_dim3A_37 = vector.shape_cast %reduce_sum3A_36 : vector<10000xf32> to vector<10000x1xf32>
    %div3A_38 = arith.constant 1.280000e+02 : f32
    %div3A_39 = vector.broadcast %div3A_38 : f32 to vector<10000x1xf32>
    %div3A_40 = arith.divf %broadcast_in_dim3A_37, %div3A_39 : vector<10000x1xf32>
    %add3A_41 = arith.constant 9.99999974E-6 : f32
    %add3A_42 = vector.broadcast %add3A_41 : f32 to vector<10000x1xf32>
    %add3A_43 = arith.addf %div3A_40, %add3A_42 : vector<10000x1xf32>
    %rsqrt3A = math.rsqrt %add3A_43 : vector<10000x1xf32>
    %mul3A_44 = vector.broadcast %rsqrt3A : vector<10000x1xf32> to vector<10000x128xf32>
    %mul3A_45 = arith.mulf %sub3A_34, %mul3A_44 : vector<10000x128xf32>
    %get3A_46 = arith.constant 0 : index
    %get3A_47 = arith.constant 0 : index
    %get3A_48 = vector.load %arg5[%get3A_46, %get3A_47] : memref<1x128xf32, #tpu.memory_space<vmem>>, vector<1x128xf32>
    %mul3A_49 = vector.broadcast %get3A_48 : vector<1x128xf32> to vector<10000x128xf32>
    %mul3A_50 = arith.mulf %mul3A_45, %mul3A_49 : vector<10000x128xf32>
    %get3A_51 = arith.constant 0 : index
    %get3A_52 = arith.constant 0 : index
    %get3A_53 = vector.load %arg6[%get3A_51, %get3A_52] : memref<1x128xf32, #tpu.memory_space<vmem>>, vector<1x128xf32>
    %add3A_54 = vector.broadcast %get3A_53 : vector<1x128xf32> to vector<10000x128xf32>
    %add3A_55 = arith.addf %mul3A_50, %add3A_54 : vector<10000x128xf32>
    %mul3A_56 = arith.constant 5.000000e-01 : f32
    %mul3A_57 = vector.broadcast %mul3A_56 : f32 to vector<10000x128xf32>
    %mul3A_58 = arith.mulf %mul3A_57, %add3A_55 : vector<10000x128xf32>
    %mul3A_59 = arith.constant 0.707106769 : f32
    %mul3A_60 = vector.broadcast %mul3A_59 : f32 to vector<10000x128xf32>
    %mul3A_61 = arith.mulf %add3A_55, %mul3A_60 : vector<10000x128xf32>
    %erf3A = math.erf %mul3A_61 : vector<10000x128xf32>
    %add3A_62 = arith.constant 1.000000e+00 : f32
    %add3A_63 = vector.broadcast %add3A_62 : f32 to vector<10000x128xf32>
    %add3A_64 = arith.addf %add3A_63, %erf3A : vector<10000x128xf32>
    %mul3A_65 = arith.mulf %mul3A_58, %add3A_64 : vector<10000x128xf32>
    %swap3A = arith.constant 0 : index
    %swap3A_66 = arith.constant 0 : index
    %swap3A_67 = vector.load %arg7[%swap3A, %swap3A_66] : memref<10000x128xf32, #tpu.memory_space<vmem>>, vector<10000x128xf32>
    tpu.vector_store %arg7[%swap3A, %swap3A_66], %mul3A_65 {strides = array<i32>} : memref<10000x128xf32, #tpu.memory_space<vmem>>, vector<10000x128xf32>,
    return
  }
}

</mosaic_0001>

<sc_bundles>
// kernel: kernel.4.cloned.1.call-start
scs
__scs_entry_jumppad:
0x0: {  	(pc) =	sbr.rel $0x88, $3  }
0x1: {  	(tag) =	ssettag $0x0;
	lr =	simm.s32 $0x1  }
0x2: {  	[smem:$0x3F9B] =	sst lr;
	_ =	strace $0xD0000000  }
0x3: {  	_ = 	snop  }
0x4: {  	_ = 	snop  }
0x5: {  	_ = 	snop  }
0x6: {  	_ = 	snop  }
0x7: {  	_ = 	snop  }
__scs_overlays_trampoline_lowered:
0x8: {  	[smem:$0x3FAA] =	sst s0  }
0x9: {  	[smem:$0x3FAB] =	sst s1  }
0xa: {  	[smem:$0x3FAC] =	sst s2  }
0xb: {  	[smem:$0x3FAD] =	sst s3  }
0xc: {  	[smem:$0x3FAE] =	sst s4  }
0xd: {  	[smem:$0x3FAF] =	sst s5  }
0xe: {  	[smem:$0x3FB0] =	sst s6  }
0xf: {  	[smem:$0x3FB1] =	sst s7  }
0x10: {  	[smem:$0x3FB2] =	sst s8  }
0x11: {  	[smem:$0x3FB3] =	sst s9;
	s0 =	simm.s32 @!p0 $0x0  }
0x12: {  	s1 =	sld [smem:$0x3F99];
	s0 =	simm.s32 @p0 $0x1  }
0x13: {  	[smem:$0x3FB4] =	sst s0;
	s0 =	simm.s32 @!p1 $0x0  }
0x14: {  	s2 =	sld [smem:$0x3F98];
	s0 =	simm.s32 @p1 $0x1  }
0x15: {  	[smem:$0x3FB5] =	sst s0;
	s0 =	simm.s32 @!p2 $0x0  }
0x16: {  	s3 =	sld [smem:$0x3FDB];
	s0 =	simm.s32 @p2 $0x1  }
0x17: {  	s4 =	simm.s32 $0x1BF5;
	[smem:$0x3FB7] =	sst s0  }
0x18: {  	s0 =	sld [smem:$0x3F9A];
	_ =	swait.ge [sflag:s4], $0x0  }
0x19: {  	s7 =	sld [smem:$0x3F9B]  }
0x1a: {  	s8 =	sadd.s32 $0xFFFFE003, lr  }
0x1b: {  	s9 =	sadd.s32 $0xFFFFFEF7, lr;
	s5 =	simm.s32 $0xFFFFFFFF;
	p2 =	slt.u32 s8, $0xFFFFF086  }
0x1c: {  	p1 =	slt.u32 s9, $0xF7A;
	s5 =	simm.s32 @!p2 $0x0  }
0x1d: {  	s5 =	simm.s32 @p1 $0x1;
	p0 =	seq.s32 s7, s2  }
0x1e: {  	s7 =	smul.u32 @!p0 $0xF7A, s2;
	p2 =	seq.s32 @!p0 s5, $0x0  }
0x1f: {  	s9 =	smul.u32 $0xF7A, s1;
	s8 =	simm.s32 @!p0 $0x1BF5;
	p2 =	por !p2, p0  }
0x20: {  	[sflag:s8] =	ssyncset.s32 @!p0 $0xFFFFF086;
	s6 =	sadd.s32 @!p0 s3, s7;
	s7 =	simm.s32 @!p0 $0x108  }
0x21: {  	s3 =	sadd.s32 s3, s9;
	s6 =	sadd.s32 @!p0 $0x88, s6;
	s7 =	simm.s32 @p2 $0x1082  }
0x22: {  	[simem:s7], [sflag:s8] =	dma.local @!p0 [hbm:s6], $0xF7A  }
0x23: {  	s9 =	sor.u32 $0xD0000000, s2;
	s6 =	simm.s32 $0x108;
	_ =	swait.ge @!p0 [sflag:s8], $0x0  }
0x24: {  	s3 =	sadd.s32 $0x88, s3;
	s6 =	simm.s32 @!p1 $0x1082;
	[sflag:s4] =	ssyncset.s32 $0xFFFFF086  }
0x25: {  	[simem:s6], [sflag:s4] =	dma.local [hbm:s3], $0xF7A  }
0x26: {  	[smem:$0x3F9B] =	sst s1;
	(tag) =	ssettag s2;
	_ =	strace s9  }
0x27: {  	s1 =	sld [smem:$0x3FAB]  }
0x28: {  	s2 =	sld [smem:$0x3FAC]  }
0x29: {  	s4 =	sld [smem:$0x3FAE]  }
0x2a: {  	p0 =	seq.s32 s5, $0x0;
	s5 =	sld [smem:$0x3FAF]  }
0x2b: {  	s6 =	sld [smem:$0x3FB0]  }
0x2c: {  	s7 =	sld [smem:$0x3FB1]  }
0x2d: {  	s3 =	simm.s32 $0x108;
	s8 =	sld [smem:$0x3FB2]  }
0x2e: {  	s3 =	simm.s32 @!p0 $0x1082;
	s9 =	sld [smem:$0x3FB3]  }
0x2f: {  	lr =	sadd.s32 s0, s3;
	s0 =	sld [smem:$0x3FAA]  }
0x30: {  	s3 =	sld [smem:$0x3FAD]  }
0x31: {  	[smem:$0x3FB6] =	sst s10  }
0x32: {  	s10 =	sld [smem:$0x3FB4];
	_ =	sdelay $0x3  }
0x33: {  	p0 =	seq.s32 s10, $0x1;
	s10 =	sld [smem:$0x3FB6];
	_ =	sdelay $0x3  }
0x34: {  	[smem:$0x3FB6] =	sst s10  }
0x35: {  	s10 =	sld [smem:$0x3FB5];
	_ =	sdelay $0x3  }
0x36: {  	p1 =	seq.s32 s10, $0x1;
	s10 =	sld [smem:$0x3FB6];
	_ =	sdelay $0x3  }
0x37: {  	[smem:$0x3FB6] =	sst s10  }
0x38: {  	s10 =	sld [smem:$0x3FB7]  }
0x39: {  	_ = 	snop;
	(pc) =	sbr.ind lr, $3  }
0x3a: {  	_ = 	snop  }
0x3b: {  	_ = 	snop  }
0x3c: {  	p2 =	seq.s32 s10, $0x1;
	s10 =	sld [smem:$0x3FB6]  }
0x3d: {  	_ =	shalt  }
0x3e: {  	_ =	shalt  }
0x3f: {  	_ =	shalt  }
0x40: {  	_ =	shalt  }
0x41: {  	_ =	shalt  }
0x42: {  	_ =	shalt  }
0x43: {  	_ =	shalt  }
0x44: {  	_ =	shalt  }
0x45: {  	_ =	shalt  }
0x46: {  	_ =	shalt  }
0x47: {  	_ =	shalt  }
0x48: {  	_ =	shalt  }
0x49: {  	_ =	shalt  }
0x4a: {  	_ =	shalt  }
0x4b: {  	_ =	shalt  }
0x4c: {  	_ =	shalt  }
0x4d: {  	_ =	shalt  }
0x4e: {  	_ =	shalt  }
0x4f: {  	_ =	shalt  }
0x50: {  	_ =	shalt  }
0x51: {  	_ =	shalt  }
0x52: {  	_ =	shalt  }
0x53: {  	_ =	shalt  }
0x54: {  	_ =	shalt  }
0x55: {  	_ =	shalt  }
0x56: {  	_ =	shalt  }
0x57: {  	_ =	shalt  }
0x58: {  	_ =	shalt  }
0x59: {  	_ =	shalt  }
0x5a: {  	_ =	shalt  }
0x5b: {  	_ =	shalt  }
0x5c: {  	_ =	shalt  }
0x5d: {  	_ =	shalt  }
0x5e: {  	_ =	shalt  }
0x5f: {  	_ =	shalt  }
0x60: {  	_ =	shalt  }
0x61: {  	_ =	shalt  }
0x62: {  	_ =	shalt  }
0x63: {  	_ =	shalt  }
0x64: {  	_ =	shalt  }
0x65: {  	_ =	shalt  }
0x66: {  	_ =	shalt  }
0x67: {  	_ =	shalt  }
0x68: {  	_ =	shalt  }
0x69: {  	_ =	shalt  }
0x6a: {  	_ =	shalt  }
0x6b: {  	_ =	shalt  }
0x6c: {  	_ =	shalt  }
0x6d: {  	_ =	shalt  }
0x6e: {  	_ =	shalt  }
0x6f: {  	_ =	shalt  }
0x70: {  	_ =	shalt  }
0x71: {  	_ =	shalt  }
0x72: {  	_ =	shalt  }
0x73: {  	_ =	shalt  }
0x74: {  	_ =	shalt  }
0x75: {  	_ =	shalt  }
0x76: {  	_ =	shalt  }
0x77: {  	_ =	shalt  }
0x78: {  	_ =	shalt  }
0x79: {  	_ =	shalt  }
0x7a: {  	_ =	shalt  }
0x7b: {  	_ =	shalt  }
0x7c: {  	_ =	shalt  }
0x7d: {  	_ =	shalt  }
0x7e: {  	_ =	shalt  }
0x7f: {  	_ =	shalt  }
0x80: {  	_ =	shalt  }
0x81: {  	_ =	shalt  }
0x82: {  	_ =	shalt  }
0x83: {  	_ =	shalt  }
0x84: {  	_ =	shalt  }
0x85: {  	_ =	shalt  }
0x86: {  	_ =	shalt  }
0x87: {  	_ =	shalt  }
.Lfunc_end0:
.L_simem_size_0:
called_computation_lowered:
.L_overlay_start_0:
0x88: {  	s2 =	sld [smem:$0x3FD9]  }
0x89: {  	s3 =	sld [smem:$0x3FFE];
	_ =	sdelay $0x1  }
0x8a: {  	s1 =	srdreg.scid  }
0x8b: {  	s0 =	sand.u32 $0x1, s1  }
0x8c: {  	s17 =	sshll.u32 s0, $0xA;
	s2 =	sadd.s32 s3, s2  }
0x8d: {  	s2 =	sadd.s32 s2, s17  }
0x8e: {  	[smem:$0x3FC2] =	sst s2  }
0x8f: {  	_ = 	snop  }
0x90: {  	s2 =	sld [smem:$0x3FC9]  }
0x91: {  	s18 =	sld [smem:$0x3FD0];
	(tm) =	ssettm $0x1  }
0x92: {  	s4 =	sld [smem:$0x3FFB];
	_ =	sdelay $0x3  }
0x93: {  	_ =	strace s4  }
0x94: {  	s4 =	sld [smem:$0x3FFC];
	_ =	sdelay $0x3  }
0x95: {  	_ =	strace s4  }
0x96: {  	s4 =	sld [smem:$0x3FFD];
	_ =	sdelay $0x3  }
0x97: {  	_ =	strace s4  }
0x98: {  	_ =	strace $0x8FFFFFFF  }
0x99: {  	s19 =	sld [smem:$0x3FDB];
	_ =	sdelay $0x1  }
0x9a: {  	s5 =	simm.s32 $_scs_section_size  }
0x9b: {  	s6 =	simm.s32 $_size__tile_overlayer_lowered;
	s7 =	simm.s32 $_tile_overlayer_lowered  }
0x9c: {  	s22 =	simm.s32 $0x1BFF;
	s21 =	sshll.u32 s7, $0x1;
	s4 =	sadd.s32 s5, s19  }
0x9d: {  	s8 =	simm.s32 $0x0;
	s20 =	sshll.u32 s6, $0x1;
	s6 =	sadd.s32 s21, s4  }
0x9e: {  	[timem:s8], [sflag:s22] =	dma.local [hbm:s6], s20  }
0x9f: {  	_ =	swait.ge [sflag:s22], s20  }
0xa0: {  	s5 =	ssub.s32 $0x0, s20;
	[sflag:s22] =	ssyncset.done $0x0  }
0xa1: {  	[sflag:s22] =	ssyncadd.s32 s5;
	_ =	sdelay $0x1  }
0xa2: {  	s23 =	simm.s32 $0x1B8B  }
0xa3: {  	_ =	swait.ge [sflag:s23], $0x1  }
0xa4: {  	[sflag:s23] =	ssyncset.done $0x0  }
0xa5: {  	s25 =	simm.s32 $0x1B8E;
	s24 =	sld [smem:$0x3FFE];
	[sflag:s23] =	ssyncadd.s32 $0xFFFFFFFF  }
0xa6: {  	s26 =	simm.s32 $execute0_lowered;
	[smem:$0x3FD2] =	sst s25  }
0xa7: {  	s6 =	sshll.u32 s26, $0x1;
	_ =	strace $0x80000046;
	[dreg:$0x1] =	wrdreg $0xFFFFFFFF  }
0xa8: {  	s28 =	simm.s32 $_size_execute0_lowered;
	s4 =	sadd.s32 s4, s6;
	[dreg:$0x0] =	wrdreg $0x0  }
0xa9: {  	s6 =	sshll.u32 s28, $0x1;
	[dreg:$0x2] =	wrdreg s4  }
0xaa: {  	[dreg:$0x3] =	wrdreg s6  }
0xab: {  	[dreg:$0x4] =	wrdreg $0xC0  }
0xac: {  	_ =	task [dreg:s8], $0x5FFFF  }
0xad: {  	[dreg:$0x1] =	wrdreg $0xFFFFFFFF  }
0xae: {  	[dreg:$0x0] =	wrdreg $0x60  }
0xaf: {  	[dreg:$0x2] =	wrdreg s2  }
0xb0: {  	[dreg:$0x3] =	wrdreg s24  }
0xb1: {  	[dreg:$0x4] =	wrdreg s18  }
0xb2: {  	[dreg:$0x5] =	wrdreg $0x12CA00  }
0xb3: {  	[dreg:$0x6] =	wrdreg $0x9  }
0xb4: {  	_ =	task.clear_ibuf [dreg:s8], $0x7FFFF;
	_ =	strace $0x90000046  }
0xb5: {  	s29 =	simm.s32 $0x9;
	_ =	strace $0x80000048  }
0xb6: {  	_ =	swait.ge [sflag:s29], $0x1  }
0xb7: {  	[sflag:s29] =	ssyncadd.s32 $0xFFFFFFFF  }
0xb8: {  	_ =	strace $0x90000048  }
0xb9: {  	_ =	sfence  }
0xba: {  	s30 =	sld [smem:$0x0];
	_ =	sdelay $0x2  }
0xbb: {  	s31 =	sshll.u32 s1, $0xD;
	s1 =	sshrl.u32 s1, $0x2  }
0xbc: {  	s3 =	sand.u32 $0x4000, s31;
	s1 =	sadd.s32 s1, s30  }
0xbd: {  	s0 =	sor.u32 s3, s0;
	s1 =	sshll.u32 s1, $0x11  }
0xbe: {  	s0 =	sor.u32 s1, s0  }
0xbf: {  	s0 =	sadd.s32 $0x8F2B, s0  }
0xc0: {  	[sflag:s0] =	ssyncadd.remote.s32 $0x1  }
0xc1: {  	_ =	sfence.sel $0xFFFF  }
0xc2: {  	[dreg:$0x0] =	wrdreg $0xFFFFFFFF;
	(pc) =	sbr.abs _section_cstart, $3  }
0xc3: {  	[dreg:$0x1] =	wrdreg $0xFFFFFFFF  }
0xc4: {  	_ =	task.clear_ibuf [dreg:s8], $0x2FFFF;
	_ =	strace $0x9FFFFFFF  }
0xc5: {  	(tm) =	ssettm $0x7FFFFFFF  }
tec
execute0_lowered:
.L_overlay_start_1:
0x0: {  	(tag) =	ssettag $0x1  }
0x1: {  	s1 =	rddreg [dreg:$0x0]  }
0x2: {  	s0 =	rddreg [dreg:$0x1]  }
0x3: {  	s3 =	rddreg [dreg:$0x2]  }
0x4: {  	s2 =	rddreg [dreg:$0x3]  }
0x5: {  	s4 =	srdreg.scid;
	s9 =	stileid.u32  }
0x6: {  	s28 =	simm.s32 $0x7D;
	s30 =	simm.s32 $0xE650;
	s31 =	simm.s32 $0x1  }
0x7: {  	s29 =	simm.s32 $0x0;
	s5 =	sand.u32 $0x1, s4;
	s7 =	smul.u32 $0xA00, s9  }
0x8: {  	s4 =	simm.s32 $0x0;
	s11 =	smul.u32 $0x9C40, s9;
	s6 =	sshll.u32 s5, $0x4  }
0x9: {  	[smem:$0x7FF] =	sst s4;
	s8 =	ssub.s32 $0x2, s5;
	p0 =	seq.s32 s5, $0x1  }
0xa: {  	s5 =	smul.u32 $0x9C400, s5;
	s6 =	sor.u32 s9, s6;
	_ =	strace $0x80000047  }
0xb: {  	s19 =	sadd.s32 s7, s0;
	s17 =	sshrl.u32 s8, $0x1;
	s7 =	sadd.s32 s11, s2  }
0xc: {  	s12 =	sadd.s32 $0x1F40, s11;
	s13 =	sadd.s32 $0x3E80, s11;
	s14 =	sadd.s32 $0x5DC0, s11  }
0xd: {  	s15 =	sadd.s32 $0x7D00, s11;
	s6 =	smul.u32 $0x4E2, s6;
	s18 =	sadd.s32 $0x1F000, s19  }
0xe: {  	s9 =	sadd.s32 s13, s2;
	s10 =	sadd.s32 s14, s2;
	s16 =	sadd.s32 s11, s5  }
0xf: {  	s11 =	sadd.s32 s15, s2;
	s23 =	sadd.s32 s5, s13;
	s25 =	sadd.s32 s5, s14  }
0x10: {  	[dreg:$0x5] =	wrdreg s18;
	s16 =	sshrl.u32 s16, $0x3;
	s24 =	sshrl.u32 s23, $0x3  }
0x11: {  	s26 =	sshrl.u32 s25, $0x3;
	s23 =	simm.s32 $0x8;
	s25 =	simm.s32 $0x5  }
0x12: {  	s0 =	sadd.s32 s6, s0;
	s6 =	ssub.s32 s8, s17;
	s8 =	sadd.s32 s12, s2  }
0x13: {  	s17 =	sadd.s32 s5, s12;
	s21 =	sadd.s32 s3, s16;
	s14 =	sadd.s32 s3, s24  }
0x14: {  	s5 =	sadd.s32 s5, s15;
	s15 =	sadd.s32 s3, s26;
	s24 =	simm.s32 $0x7  }
0x15: {  	s26 =	simm.s32 $0x6;
	s20 =	sadd.s32 $0x1200, s0;
	[dreg:$0x7] =	wrdreg s21  }
0x16: {  	s22 =	sshrl.u32 s17, $0x3;
	s5 =	sshrl.u32 s5, $0x3;
	s17 =	sadd.s32 $0x29000, s0  }
0x17: {  	s18 =	smax.u32 s6, $0x1;
	s0 =	simm.s32 $0x3;
	s21 =	simm.s32 $0x10590  }
0x18: {  	[dreg:$0x6] =	wrdreg s20;
	s13 =	sadd.s32 s3, s22;
	s20 =	simm.s32 $0x15000  }
0x19: {  	s16 =	sadd.s32 s3, s5;
	s22 =	simm.s32 $0xC710;
	s20 =	simm.s32 @!p0 $0xB000  }
0x1a: {  	v0 =	vimm.f32 $0.0e+00;
	v1 =	vimm.f32 $1.000000000e+00;
	s3 =	simm.s32 $0x2;
	s19 =	sadd.s32 s20, s19;
	s20 =	simm.s32 $0x4  }
.LBB2_1:
0x1b: {  	[tilespmem:s4], [sflag:$0x7] =	stream.linear.gather [hbm4b:s19+s4], $0x5000, $0x38;
	[tilespmem:$0x1C8E0] =	vst v63  }
0x1c: {  	s5 =	rddreg [dreg:$0x5];
	s6 =	simm.s32 $0x5000  }
0x1d: {  	[tilespmem:s6], [sflag:$0x5] =	stream.linear.gather [hbm4b:s5+s4], $0x5000, $0x38;
	[tilespmem:$0x1C8E0] =	vst v63  }
0x1e: {  	s12 =	simm.s32 $0xA000;
	s6 =	rddreg [dreg:$0x6];
	s5 =	simm.s32 $0x0  }
0x1f: {  	[tilespmem:s12], [sflag:$0x6] =	stream.linear.gather [hbm4b:s6+s4], $0x2710, $0x38;
	[tilespmem:$0x1C8E0] =	vst v63  }
.LBB2_2:
0x20: {  	p0 =	sne.s32 s5, $0x7C00  }
.Ltmp0:
0x21: {  	s6 =	sshra.s32 s5, $0x2;
	(pc) =	sbr.rel @p0 .LBB2_2-.Ltmp0, $4  }
0x22: {  	[tilespmem:s6+$0xC710] =	vst v0  }
0x23: {  	[tilespmem:s6+$0xC720] =	vst v0  }
0x24: {  	[tilespmem:s6+$0xC730] =	vst v0  }
0x25: {  	s5 =	sadd.s32 $0x100, s5;
	[tilespmem:s6+$0xC740] =	vst v0  }
0x26: {  	s5 =	simm.s32 $0x40;
	s6 =	simm.s32 $0x0  }
.LBB2_4:
0x27: {  	p0 =	sne.s32 s5, $0x9C00;
	[tilespmem:s6+$0x10590] =	vst v0;
	s6 =	smov.u32 s5;
	s5 =	sadd.s32 $0x40, s5  }
.Ltmp1:
0x28: {  	(pc) =	sbr.rel @p0 .LBB2_4-.Ltmp1, $2  }
0x29: {  	_ =	sdelay $0x2  }
0x2a: {  	s6 =	sshra.s32 s6, $0x2  }
0x2b: {  	[tilespmem:s6+$0x10590] =	vst v0  }
0x2c: {  	[spmem:s7] =	stream.linear.scatter [tilespmem:s22], [sflag:$0x8], $0x1F40, $0x38;
	[tilespmem:$0x1C8E0] =	vst v63  }
0x2d: {  	_ =	swait.ge [sflag:s23], $0x1F40  }
0x2e: {  	[sflag:s23] =	ssyncset.done $0x0  }
0x2f: {  	[sflag:s23] =	ssyncadd.s32 $0xFFFFE0C0  }
0x30: {  	[spmem:s8] =	stream.linear.scatter [tilespmem:s22], [sflag:$0x8], $0x1F40, $0x38;
	[tilespmem:$0x1C8E0] =	vst v63  }
0x31: {  	_ =	swait.ge [sflag:s23], $0x1F40  }
0x32: {  	[sflag:s23] =	ssyncset.done $0x0  }
0x33: {  	[sflag:s23] =	ssyncadd.s32 $0xFFFFE0C0  }
0x34: {  	[spmem:s9] =	stream.linear.scatter [tilespmem:s22], [sflag:$0x8], $0x1F40, $0x38;
	[tilespmem:$0x1C8E0] =	vst v63  }
0x35: {  	_ =	swait.ge [sflag:s23], $0x1F40  }
0x36: {  	[sflag:s23] =	ssyncset.done $0x0  }
0x37: {  	[sflag:s23] =	ssyncadd.s32 $0xFFFFE0C0  }
0x38: {  	[spmem:s10] =	stream.linear.scatter [tilespmem:s22], [sflag:$0x8], $0x1F40, $0x38;
	[tilespmem:$0x1C8E0] =	vst v63  }
0x39: {  	_ =	swait.ge [sflag:s23], $0x1F40  }
0x3a: {  	[sflag:s23] =	ssyncset.done $0x0  }
0x3b: {  	[sflag:s23] =	ssyncadd.s32 $0xFFFFE0C0  }
0x3c: {  	[spmem:s11] =	stream.linear.scatter [tilespmem:s22], [sflag:$0x8], $0x1F40, $0x38;
	[tilespmem:$0x1C8E0] =	vst v63  }
0x3d: {  	_ =	swait.ge [sflag:s23], $0x1F40  }
0x3e: {  	[sflag:s23] =	ssyncset.done $0x0  }
0x3f: {  	[sflag:s23] =	ssyncadd.s32 $0xFFFFE0C0  }
0x40: {  	_ =	swait.ge [sflag:s24], $0x5000  }
0x41: {  	[sflag:s24] =	ssyncset.done $0x0  }
0x42: {  	[sflag:s24] =	ssyncadd.s32 $0xFFFFB000  }
0x43: {  	_ =	swait.ge [sflag:s25], $0x5000  }
0x44: {  	[sflag:s25] =	ssyncset.done $0x0  }
0x45: {  	[sflag:s25] =	ssyncadd.s32 $0xFFFFB000  }
0x46: {  	_ =	swait.ge [sflag:s26], $0x2710  }
0x47: {  	[sflag:s26] =	ssyncset.done $0x0  }
0x48: {  	[sflag:s26] =	ssyncadd.s32 $0xFFFFD8F0  }
0x49: {  	s5 =	simm.s32 $0x0;
	[bflag:$0x0] =	sbarrier.arrive $0xFFFF  }
0x4a: {  	[tilespmem:s22], [sflag:$0x1] =	stream.indirect.gather [hbm4b:s1+s28], $0x40, s5, s28, $0xb8;
	[tilespmem:$0x1C8E0] =	vst v63  }
0x4b: {  	s6 =	simm.s32 $0x80  }
0x4c: {  	[tilespmem:s30], [sflag:$0x2] =	stream.indirect.gather [hbm4b:s1+s28], $0x40, s6, s28, $0xb8;
	[tilespmem:$0x1C8E0] =	vst v63  }
0x4d: {  	_ =	swait.ge [sflag:s31], $0x1F40  }
0x4e: {  	[sflag:s31] =	ssyncset.done $0x0  }
0x4f: {  	s12 =	simm.s32 $0x5000;
	[sflag:s31] =	ssyncadd.s32 $0xFFFFE0C0  }
0x50: {  	[spmem:s2] =	stream.indirect.scatter.add.f32 [tilespmem:s22], [sflag:$0x3], $0x40, s12, s28, $0xb8;
	[tilespmem:$0x1C8E0] =	vst v63  }
0x51: {  	_ =	swait.ge [sflag:s0], $0x1F40  }
0x52: {  	[sflag:s0] =	ssyncset.done $0x0  }
0x53: {  	s6 =	simm.s32 $0x100;
	[sflag:s0] =	ssyncadd.s32 $0xFFFFE0C0  }
0x54: {  	[tilespmem:s22], [sflag:$0x1] =	stream.indirect.gather [hbm4b:s1+s28], $0x40, s6, s28, $0xb8;
	[tilespmem:$0x1C8E0] =	vst v63  }
0x55: {  	_ =	swait.ge [sflag:s3], $0x1F40  }
0x56: {  	[sflag:s3] =	ssyncset.done $0x0  }
0x57: {  	s12 =	simm.s32 $0x5080;
	[sflag:s3] =	ssyncadd.s32 $0xFFFFE0C0  }
0x58: {  	[spmem:s2] =	stream.indirect.scatter.add.f32 [tilespmem:s30], [sflag:$0x4], $0x40, s12, s28, $0xb8;
	[tilespmem:$0x1C8E0] =	vst v63  }
0x59: {  	_ =	swait.ge [sflag:s20], $0x1F40  }
0x5a: {  	[sflag:s20] =	ssyncset.done $0x0  }
0x5b: {  	s6 =	simm.s32 $0x180;
	[sflag:s20] =	ssyncadd.s32 $0xFFFFE0C0  }
0x5c: {  	[tilespmem:s30], [sflag:$0x2] =	stream.indirect.gather [hbm4b:s1+s28], $0x40, s6, s28, $0xb8;
	[tilespmem:$0x1C8E0] =	vst v63  }
0x5d: {  	_ =	swait.ge [sflag:s31], $0x1F40  }
0x5e: {  	[sflag:s31] =	ssyncset.done $0x0  }
0x5f: {  	s12 =	simm.s32 $0x5100;
	[sflag:s31] =	ssyncadd.s32 $0xFFFFE0C0  }
0x60: {  	[spmem:s2] =	stream.indirect.scatter.add.f32 [tilespmem:s22], [sflag:$0x3], $0x40, s12, s28, $0xb8;
	[tilespmem:$0x1C8E0] =	vst v63  }
0x61: {  	_ =	swait.ge [sflag:s0], $0x1F40  }
0x62: {  	[sflag:s0] =	ssyncset.done $0x0  }
0x63: {  	s6 =	simm.s32 $0x200;
	[sflag:s0] =	ssyncadd.s32 $0xFFFFE0C0  }
0x64: {  	[tilespmem:s22], [sflag:$0x1] =	stream.indirect.gather [hbm4b:s1+s28], $0x40, s6, s28, $0xb8;
	[tilespmem:$0x1C8E0] =	vst v63  }
0x65: {  	_ =	swait.ge [sflag:s3], $0x1F40  }
0x66: {  	[sflag:s3] =	ssyncset.done $0x0  }
0x67: {  	s12 =	simm.s32 $0x5180;
	[sflag:s3] =	ssyncadd.s32 $0xFFFFE0C0  }
0x68: {  	[spmem:s2] =	stream.indirect.scatter.add.f32 [tilespmem:s30], [sflag:$0x4], $0x40, s12, s28, $0xb8;
	[tilespmem:$0x1C8E0] =	vst v63  }
0x69: {  	_ =	swait.ge [sflag:s20], $0x1F40  }
0x6a: {  	[sflag:s20] =	ssyncset.done $0x0  }
0x6b: {  	s5 =	simm.s32 $0x800;
	s6 =	simm.s32 $0x280;
	[sflag:s20] =	ssyncadd.s32 $0xFFFFE0C0  }
.LBB2_6:
0x6c: {  	[tilespmem:s30], [sflag:$0x2] =	stream.indirect.gather [hbm4b:s1+s28], $0x40, s6, s28, $0xb8;
	[tilespmem:$0x1C8E0] =	vst v63  }
0x6d: {  	s6 =	smov.u32 s5  }
0x6e: {  	p0 =	sne.s32 s5, $0x13000;
	s5 =	sadd.s32 $0x800, s5;
	_ =	swait.ge [sflag:s31], $0x1F40  }
0x6f: {  	s6 =	sshra.s32 s6, $0x2;
	[sflag:s31] =	ssyncset.done $0x0  }
0x70: {  	s12 =	sadd.s32 $0x5000, s6;
	[sflag:s31] =	ssyncadd.s32 $0xFFFFE0C0  }
0x71: {  	[spmem:s2] =	stream.indirect.scatter.add.f32 [tilespmem:s22], [sflag:$0x3], $0x40, s12, s28, $0xb8;
	[tilespmem:$0x1C8E0] =	vst v63  }
0x72: {  	_ =	swait.ge [sflag:s0], $0x1F40  }
0x73: {  	[sflag:s0] =	ssyncset.done $0x0  }
0x74: {  	s12 =	sadd.s32 $0x100, s6;
	[sflag:s0] =	ssyncadd.s32 $0xFFFFE0C0  }
0x75: {  	[tilespmem:s22], [sflag:$0x1] =	stream.indirect.gather [hbm4b:s1+s28], $0x40, s12, s28, $0xb8;
	[tilespmem:$0x1C8E0] =	vst v63  }
0x76: {  	_ =	swait.ge [sflag:s3], $0x1F40  }
0x77: {  	[sflag:s3] =	ssyncset.done $0x0  }
0x78: {  	s12 =	sadd.s32 $0x5080, s6;
	[sflag:s3] =	ssyncadd.s32 $0xFFFFE0C0  }
0x79: {  	[spmem:s2] =	stream.indirect.scatter.add.f32 [tilespmem:s30], [sflag:$0x4], $0x40, s12, s28, $0xb8;
	[tilespmem:$0x1C8E0] =	vst v63  }
0x7a: {  	_ =	swait.ge [sflag:s20], $0x1F40  }
0x7b: {  	[sflag:s20] =	ssyncset.done $0x0  }
0x7c: {  	s12 =	sadd.s32 $0x180, s6;
	[sflag:s20] =	ssyncadd.s32 $0xFFFFE0C0  }
0x7d: {  	[tilespmem:s30], [sflag:$0x2] =	stream.indirect.gather [hbm4b:s1+s28], $0x40, s12, s28, $0xb8;
	[tilespmem:$0x1C8E0] =	vst v63  }
0x7e: {  	_ =	swait.ge [sflag:s31], $0x1F40  }
0x7f: {  	[sflag:s31] =	ssyncset.done $0x0  }
0x80: {  	s12 =	sadd.s32 $0x5100, s6;
	[sflag:s31] =	ssyncadd.s32 $0xFFFFE0C0  }
0x81: {  	[spmem:s2] =	stream.indirect.scatter.add.f32 [tilespmem:s22], [sflag:$0x3], $0x40, s12, s28, $0xb8;
	[tilespmem:$0x1C8E0] =	vst v63  }
0x82: {  	_ =	swait.ge [sflag:s0], $0x1F40  }
0x83: {  	[sflag:s0] =	ssyncset.done $0x0  }
0x84: {  	s12 =	sadd.s32 $0x200, s6;
	[sflag:s0] =	ssyncadd.s32 $0xFFFFE0C0  }
0x85: {  	[tilespmem:s22], [sflag:$0x1] =	stream.indirect.gather [hbm4b:s1+s28], $0x40, s12, s28, $0xb8;
	[tilespmem:$0x1C8E0] =	vst v63  }
0x86: {  	_ =	swait.ge [sflag:s3], $0x1F40  }
0x87: {  	[sflag:s3] =	ssyncset.done $0x0  }
.Ltmp2:
0x88: {  	s12 =	sadd.s32 $0x5180, s6;
	[sflag:s3] =	ssyncadd.s32 $0xFFFFE0C0;
	(pc) =	sbr.rel @p0 .LBB2_6-.Ltmp2, $4  }
0x89: {  	[spmem:s2] =	stream.indirect.scatter.add.f32 [tilespmem:s30], [sflag:$0x4], $0x40, s12, s28, $0xb8;
	[tilespmem:$0x1C8E0] =	vst v63  }
0x8a: {  	_ =	swait.ge [sflag:s20], $0x1F40  }
0x8b: {  	[sflag:s20] =	ssyncset.done $0x0  }
0x8c: {  	s6 =	sadd.s32 $0x280, s6;
	[sflag:s20] =	ssyncadd.s32 $0xFFFFE0C0  }
0x8d: {  	[tilespmem:s30], [sflag:$0x2] =	stream.indirect.gather [hbm4b:s1+s28], $0x40, s6, s28, $0xb8;
	[tilespmem:$0x1C8E0] =	vst v63  }
0x8e: {  	_ =	swait.ge [sflag:s31], $0x1F40  }
0x8f: {  	[sflag:s31] =	ssyncset.done $0x0  }
0x90: {  	s5 =	simm.s32 $0x9E00;
	[sflag:s31] =	ssyncadd.s32 $0xFFFFE0C0  }
0x91: {  	[spmem:s2] =	stream.indirect.scatter.add.f32 [tilespmem:s22], [sflag:$0x3], $0x40, s5, s28, $0xb8;
	[tilespmem:$0x1C8E0] =	vst v63  }
0x92: {  	_ =	swait.ge [sflag:s0], $0x1F40  }
0x93: {  	[sflag:s0] =	ssyncset.done $0x0  }
0x94: {  	s12 =	simm.s32 $0x4F00;
	[sflag:s0] =	ssyncadd.s32 $0xFFFFE0C0  }
0x95: {  	[tilespmem:s22], [sflag:$0x1] =	stream.indirect.gather [hbm4b:s1+s28], $0x40, s12, s28, $0xb8;
	[tilespmem:$0x1C8E0] =	vst v63  }
0x96: {  	_ =	swait.ge [sflag:s3], $0x1F40  }
0x97: {  	[sflag:s3] =	ssyncset.done $0x0  }
0x98: {  	s6 =	simm.s32 $0x9E80;
	[sflag:s3] =	ssyncadd.s32 $0xFFFFE0C0  }
0x99: {  	[spmem:s2] =	stream.indirect.scatter.add.f32 [tilespmem:s30], [sflag:$0x4], $0x40, s6, s28, $0xb8;
	[tilespmem:$0x1C8E0] =	vst v63  }
0x9a: {  	_ =	swait.ge [sflag:s20], $0x1F40  }
0x9b: {  	[sflag:s20] =	ssyncset.done $0x0  }
0x9c: {  	s12 =	simm.s32 $0x4F80;
	[sflag:s20] =	ssyncadd.s32 $0xFFFFE0C0  }
0x9d: {  	[tilespmem:s30], [sflag:$0x2] =	stream.indirect.gather [hbm4b:s1+s28], $0x40, s12, s28, $0xb8;
	[tilespmem:$0x1C8E0] =	vst v63  }
0x9e: {  	_ =	swait.ge [sflag:s31], $0x1F40  }
0x9f: {  	[sflag:s31] =	ssyncset.done $0x0  }
0xa0: {  	s6 =	simm.s32 $0x9F00;
	[sflag:s31] =	ssyncadd.s32 $0xFFFFE0C0  }
0xa1: {  	[spmem:s2] =	stream.indirect.scatter.add.f32 [tilespmem:s22], [sflag:$0x3], $0x40, s6, s28, $0xb8;
	[tilespmem:$0x1C8E0] =	vst v63  }
0xa2: {  	_ =	swait.ge [sflag:s0], $0x1F40  }
0xa3: {  	[sflag:s0] =	ssyncset.done $0x0  }
0xa4: {  	[sflag:s0] =	ssyncadd.s32 $0xFFFFE0C0  }
0xa5: {  	_ =	swait.ge [sflag:s3], $0x1F40  }
0xa6: {  	[sflag:s3] =	ssyncset.done $0x0  }
0xa7: {  	s12 =	simm.s32 $0x9F80;
	[sflag:s3] =	ssyncadd.s32 $0xFFFFE0C0  }
0xa8: {  	[spmem:s2] =	stream.indirect.scatter.add.f32 [tilespmem:s30], [sflag:$0x4], $0x40, s12, s28, $0xb8;
	[tilespmem:$0x1C8E0] =	vst v63  }
0xa9: {  	_ =	swait.ge [sflag:s20], $0x1F40  }
0xaa: {  	[sflag:s20] =	ssyncset.done $0x0  }
0xab: {  	s5 =	simm.s32 $0x40;
	s6 =	simm.s32 $0x0;
	[sflag:s20] =	ssyncadd.s32 $0xFFFFE0C0  }
.LBB2_8:
0xac: {  	p0 =	sne.s32 s5, $0x9C00;
	v2 =	vld [tilespmem:s6+$0xA000];
	_ =	sdelay $0x3  }
.Ltmp3:
0xad: {  	(pc) =	sbr.rel @p0 .LBB2_8-.Ltmp3, $2  }
0xae: {  	_ =	sdelay $0x2  }
0xaf: {  	s6 =	sshra.s32 s5, $0x2;
	s5 =	sadd.s32 $0x40, s5;
	[tilespmem:v2+s21+$0x0] =	vst.idx.add.f32.msk $0xffff, v1  }
0xb0: {  	v2 =	vld [tilespmem:s6+$0xA000];
	_ =	sdelay $0x7  }
0xb1: {  	s5 =	stileid.u32;
	[tilespmem:v2+s21+$0x0] =	vst.idx.add.f32.msk $0xffff, v1  }
0xb2: {  	s5 =	sshll.u32 s5, $0x6;
	[bflag:$0x0] =	sbarrier.arrive $0xFFFF  }
0xb3: {  	s6 =	sshrl.u32 s7, $0x3;
	s5 =	sor.u32 $0x1C08, s5;
	s12 =	rddreg [dreg:$0x7]  }
0xb4: {  	[hbm:s12], [sflag:s5] =	dma.local [spmem:s6], $0x3E8  }
0xb5: {  	_ =	swait.ge [sflag:s23], $0x3E8  }
0xb6: {  	[sflag:s23] =	ssyncset.done $0x0  }
0xb7: {  	s12 =	sshrl.u32 s8, $0x3;
	[sflag:s23] =	ssyncadd.s32 $0xFFFFFC18  }
0xb8: {  	[hbm:s13], [sflag:s5] =	dma.local [spmem:s12], $0x3E8  }
0xb9: {  	_ =	swait.ge [sflag:s23], $0x3E8  }
0xba: {  	[sflag:s23] =	ssyncset.done $0x0  }
0xbb: {  	s12 =	sshrl.u32 s9, $0x3;
	[sflag:s23] =	ssyncadd.s32 $0xFFFFFC18  }
0xbc: {  	[hbm:s14], [sflag:s5] =	dma.local [spmem:s12], $0x3E8  }
0xbd: {  	_ =	swait.ge [sflag:s23], $0x3E8  }
0xbe: {  	[sflag:s23] =	ssyncset.done $0x0  }
0xbf: {  	s12 =	sshrl.u32 s10, $0x3;
	[sflag:s23] =	ssyncadd.s32 $0xFFFFFC18  }
0xc0: {  	[hbm:s15], [sflag:s5] =	dma.local [spmem:s12], $0x3E8  }
0xc1: {  	_ =	swait.ge [sflag:s23], $0x3E8  }
0xc2: {  	[sflag:s23] =	ssyncset.done $0x0  }
0xc3: {  	s12 =	sshrl.u32 s11, $0x3;
	[sflag:s23] =	ssyncadd.s32 $0xFFFFFC18  }
0xc4: {  	[hbm:s16], [sflag:s5] =	dma.local [spmem:s12], $0x3E8  }
0xc5: {  	s29 =	sadd.s32 $0x1, s29;
	_ =	swait.ge [sflag:s23], $0x3E8  }
0xc6: {  	p0 =	sne.s32 s29, s18;
	[sflag:s23] =	ssyncset.done $0x0  }
.Ltmp4:
0xc7: {  	[sflag:s23] =	ssyncadd.s32 $0xFFFFFC18;
	(pc) =	sbr.rel @p0 .LBB2_1-.Ltmp4, $4  }
0xc8: {  	[hbm4b:s17+s4] =	stream.linear.scatter [tilespmem:s21], [sflag:$0x8], $0x2710, $0x38;
	[tilespmem:$0x1C8E0] =	vst v63  }
0xc9: {  	_ =	swait.ge [sflag:s23], $0x2710  }
0xca: {  	[sflag:s23] =	ssyncset.done $0x0  }
0xcb: {  	[sflag:s23] =	ssyncadd.s32 $0xFFFFD8F0  }
0xcc: {  	_ =	sfence.sel $0x180000  }
0xcd: {  	[bflag:$0x0] =	sbarrier.arrive $0xFFFF  }
0xce: {  	_ =	strace $0x90000047  }
0xcf: {  	s0 =	stileid.u32;
	[bflag:$0x2] =	sbarrier.arrive $0xFFFF  }
0xd0: {  	p0 =	sne.s32 s0, $0x0;
	s0 =	rddreg [dreg:$0x4]  }
0xd1: {  	s0 =	sadd.s32 @!p0 $0x100000, s0  }
0xd2: {  	[sflag:s0] =	ssyncadd.tile.s32 @!p0 $0x1;
	_ =	shalt  }
.Lfunc_end2:
_tile_overlayer_lowered:
.L_overlay_start_2:
0xd3: {  	(tag) =	ssettag $0x2  }
0xd4: {  	s0 =	rddreg [dreg:$0x0];
	s2 =	stileid.u32  }
0xd5: {  	s1 =	rddreg [dreg:$0x1];
	p0 =	sne.s32 s2, $0x0  }
0xd6: {  	s3 =	rddreg [dreg:$0x2];
	[bflag:$0x3] =	sbarrier.arrive $0xFFFF;
	s2 =	simm.s32 @!p0 $0x1C08  }
0xd7: {  	[timem:s3], [sflag:s2] =	dma.local @!p0 [hbm:s0], s1  }
0xd8: {  	s0 =	simm.s32 @!p0 $0x8  }
0xd9: {  	_ =	swait.ge @!p0 [sflag:s0], s1  }
0xda: {  	s1 =	ssub.s32 @!p0 $0x0, s1;
	[sflag:s0] =	ssyncset.done @!p0 $0x0  }
0xdb: {  	[sflag:s0] =	ssyncadd.s32 @!p0 s1  }
0xdc: {  	[bflag:$0x3] =	sbarrier.arrive $0xFFFF  }
0xdd: {  	_ =	shalt  }

</sc_bundles>
